<compile_context>
chip_gen: v7x
topology: tpu7x:2x2x1
jax: 0.10.2.dev20260603
libtpu: 0.0.44.dev20260713+nightly
codegen_flags: <defaults>
</compile_context>

<pallas_src>
import functools

import jax
import jax.numpy as jnp
from jax import lax
from jax.experimental import pallas as pl
from jax.experimental.pallas import tpu as pltpu
from jax.experimental.pallas import tpu_sc as plsc

M_TOK = 2048
D_IN = 768
D_OUT = 768
N_EXP = 64
LANES = 16
N_SUB = 16
TOK_PER_SUB = M_TOK // N_SUB
ROW_I32 = D_IN // 2
TM = 64
OFFS_PAD = 80


def _sc_sort_body(eidx_hbm, x_hbm, xs_hbm, offs_hbm,
                  shared_hist, shared_sid, ids_v, hist_v, cnts_v, base_v,
                  offs_v, pos_v, tok_v, sid_v, rows_v, sem):
  wid = lax.axis_index("s")
  tbase = wid * TOK_PER_SUB
  zeros = jnp.zeros((LANES,), jnp.int32)

  pltpu.sync_copy(eidx_hbm.at[pl.ds(tbase, TOK_PER_SUB)], ids_v)

  for k in range(N_EXP // LANES):
    hist_v[pl.ds(k * LANES, LANES)] = zeros
  for k in range(TOK_PER_SUB // LANES):
    idvec = ids_v[pl.ds(k * LANES, LANES)]
    occ, last = plsc.scan_count(idvec)
    prior = plsc.load_gather(hist_v, [idvec])
    plsc.store_scatter(hist_v, [idvec], prior + occ, mask=last)

  pltpu.sync_copy(hist_v, shared_hist.at[wid])
  plsc.subcore_barrier()
  pltpu.sync_copy(shared_hist, cnts_v)

  carry = jnp.int32(0)
  for k in range(N_EXP // LANES):
    tot = zeros
    pre = zeros
    for w2 in range(N_SUB):
      row = cnts_v[w2, pl.ds(k * LANES, LANES)]
      tot = tot + row
      pre = pre + jnp.where(w2 < wid, row, zeros)
    incl = plsc.cumsum(tot)
    excl = incl - tot + carry
    base_v[pl.ds(k * LANES, LANES)] = excl + pre
    offs_v[pl.ds(k * LANES, LANES)] = excl
    carry = carry + jnp.sum(tot)
  lane = lax.iota(jnp.int32, LANES)
  offs_v[pl.ds(N_EXP, LANES)] = jnp.where(lane == 0, jnp.int32(M_TOK), 0)

  for k in range(N_EXP // LANES):
    hist_v[pl.ds(k * LANES, LANES)] = zeros
  for k in range(TOK_PER_SUB // LANES):
    idvec = ids_v[pl.ds(k * LANES, LANES)]
    occ, last = plsc.scan_count(idvec)
    prior = plsc.load_gather(hist_v, [idvec])
    basee = plsc.load_gather(base_v, [idvec])
    pos_v[0, pl.ds(k * LANES, LANES)] = basee + prior + occ - 1
    tok_v[pl.ds(k * LANES, LANES)] = tbase + k * LANES + lane
    plsc.store_scatter(hist_v, [idvec], prior + occ, mask=last)

  pltpu.sync_copy(tok_v, shared_sid.at[pos_v.at[0]])
  plsc.subcore_barrier()
  pltpu.sync_copy(shared_sid.at[pl.ds(tbase, TOK_PER_SUB)], sid_v)
  pltpu.async_copy(x_hbm.at[sid_v], rows_v, sem).wait()
  pltpu.sync_copy(rows_v, xs_hbm.at[pl.ds(tbase, TOK_PER_SUB)])

  @pl.when(wid == 0)
  def _():
    pltpu.sync_copy(offs_v, offs_hbm)


@functools.cache
def _get_sc_sort():
  return pl.kernel(
      _sc_sort_body,
      out_type=(
          jax.ShapeDtypeStruct((M_TOK, ROW_I32), jnp.int32),
          jax.ShapeDtypeStruct((OFFS_PAD,), jnp.int32),
      ),
      mesh=plsc.VectorSubcoreMesh(
          core_axis_name="c", subcore_axis_name="s", num_cores=1,
          num_subcores=N_SUB),
      compiler_params=pltpu.CompilerParams(needs_layout_passes=False),
      scratch_types=[
          pltpu.VMEM_SHARED((N_SUB, N_EXP), jnp.int32),
          pltpu.VMEM_SHARED((M_TOK,), jnp.int32),
          pltpu.VMEM((TOK_PER_SUB,), jnp.int32),
          pltpu.VMEM((N_EXP,), jnp.int32),
          pltpu.VMEM((N_SUB, N_EXP), jnp.int32),
          pltpu.VMEM((N_EXP,), jnp.int32),
          pltpu.VMEM((OFFS_PAD,), jnp.int32),
          pltpu.VMEM((1, TOK_PER_SUB), jnp.int32),
          pltpu.VMEM((TOK_PER_SUB,), jnp.int32),
          pltpu.VMEM((TOK_PER_SUB,), jnp.int32),
          pltpu.VMEM((TOK_PER_SUB, ROW_I32), jnp.int32),
          pltpu.SemaphoreType.DMA,
      ],
  )


N_TILES = M_TOK // TM


def _dec_f16(u):
  f32b = ((u & 0x8000) << 16) | (((u & 0x7FFF) << 13) + (112 << 23))
  return lax.bitcast_convert_type(f32b, jnp.float32)


HALF_D = D_IN // 2


def _tc_matmul_body(offs_ref, x_ref, w_ref, out_ref, acc_ref):
  e = pl.program_id(0)

  @pl.when(e == 0)
  def _():
    acc_ref[...] = jnp.zeros_like(acc_ref)

  off0 = offs_ref[e]
  off1 = offs_ref[e + 1]
  t0 = off0 // TM
  t1 = lax.div(off1 + TM - 1, TM)

  we = w_ref[0, pl.ds(0, HALF_D), :]
  wo = w_ref[0, pl.ds(HALF_D, HALF_D), :]

  def tile_step(k, carry):
    tt = t0 + k
    v = x_ref[tt]
    ridx = tt * TM + lax.broadcasted_iota(jnp.int32, (TM, 1), 0)
    m = (ridx >= off0) & (ridx < off1)
    xlo = jnp.where(m, _dec_f16(v & 0xFFFF), 0.).astype(jnp.bfloat16)
    xhi = jnp.where(m, _dec_f16((v >> 16) & 0xFFFF), 0.).astype(jnp.bfloat16)
    acc_ref[tt] = (acc_ref[tt]
                   + jnp.dot(xlo, we, preferred_element_type=jnp.float32)
                   + jnp.dot(xhi, wo, preferred_element_type=jnp.float32))
    return carry
  lax.fori_loop(0, t1 - t0, tile_step, 0)

  @pl.when(e == N_EXP - 1)
  def _():
    b = lax.bitcast_convert_type(acc_ref[...], jnp.int32)
    sign = (b >> 16) & 0x8000
    t = ((b & 0x7FFFFFFF) + 0x1000) >> 13
    h = jnp.where(t < (112 << 10), 0, t - (112 << 10))
    out_ref.bitcast(jnp.int16)[...] = (sign | h).astype(jnp.int16)


_tc_matmul = pl.pallas_call(
    _tc_matmul_body,
    grid_spec=pltpu.PrefetchScalarGridSpec(
        num_scalar_prefetch=1,
        grid=(N_EXP,),
        in_specs=[
            pl.BlockSpec((N_TILES, TM, ROW_I32), lambda e, s: (0, 0, 0)),
            pl.BlockSpec((1, D_IN, D_OUT), lambda e, s: (e, 0, 0)),
        ],
        out_specs=pl.BlockSpec((N_TILES, TM, D_OUT), lambda e, s: (0, 0, 0)),
        scratch_shapes=[pltpu.VMEM((N_TILES, TM, D_OUT), jnp.float32)],
    ),
    out_shape=jax.ShapeDtypeStruct((N_TILES, TM, D_OUT), jnp.float16),
    compiler_params=pltpu.CompilerParams(
        dimension_semantics=("arbitrary",)),
)


def kernel(x, expert_indices, weights):
  x_i32 = lax.bitcast_convert_type(
      jnp.stack([x[:, :HALF_D], x[:, HALF_D:]], axis=2), jnp.int32)
  xs_i32, offs = _get_sc_sort()(expert_indices, x_i32)
  w_bf = weights.astype(jnp.bfloat16)
  out = _tc_matmul(offs, xs_i32.reshape(N_TILES, TM, ROW_I32), w_bf)
  return out.reshape(M_TOK, D_OUT)

# --- scband reference (transcript-rebuilt; emitter-appended) ---
"""Pipeline reference for scband-ply-mo-e-53515292508315 (READ-ONLY COPY).

The authoritative reference and input builder live on the scoring server;
editing this copy changes nothing except your own understanding.
"""

import jax, jax.numpy as jnp
import numpy as np

NUM_EXPERTS = 64
IN_FEATURES = 768
OUT_FEATURES = 768
M_TOKENS = 2048


def setup_inputs(seed: int = 0) -> dict:
    key = jax.random.key(seed)
    k1, k2, k3 = jax.random.split(key, 3)
    x = jax.random.normal(k1, (M_TOKENS, IN_FEATURES), dtype=jnp.float32).astype(jnp.float16)
    expert_indices = jax.random.randint(k2, (M_TOKENS,), 0, NUM_EXPERTS, dtype=jnp.int32)
    weights = jax.random.normal(k3, (NUM_EXPERTS, IN_FEATURES, OUT_FEATURES), dtype=jnp.float32).astype(jnp.float16)
    return {"x": x, "expert_indices": expert_indices, "weights": weights}


def reference(x, expert_indices, weights):
    # Faithful translation of PlyMoE.forward:
    # 1) sort tokens by expert id
    sorted_indices = jnp.argsort(expert_indices)
    x_sorted = x[sorted_indices]
    sorted_experts = expert_indices[sorted_indices]
    # (bincount / offsets are implicit in the grouped matmul below; the Triton
    #  kernel computes, for each token i, x_sorted[i] @ weights[expert(i)] with
    #  fp32 accumulation, stored as fp16, in sorted token order.)
    num_experts = weights.shape[0]
    xf = x_sorted.astype(jnp.float32)
    wf = weights.astype(jnp.float32)
    onehot = jax.nn.one_hot(sorted_experts, num_experts, dtype=jnp.float32)  # [M, E]
    out = jnp.zeros((x.shape[0], weights.shape[2]), dtype=jnp.float32)
    for e in range(num_experts):
        mask = onehot[:, e:e + 1]
        out = out + (xf * mask) @ wf[e]
    # kernel stores fp16 output in sorted order (module returns out_sorted)
    return out.astype(jnp.float16)

if __name__ == "__main__":
    import jax
    _d = setup_inputs()
    print(jax.jit(kernel)(*tuple(_d.values())))

</pallas_src>

<mosaic_0001>
#map = affine_map<(d0, d1) -> (0)>
#map1 = affine_map<(d0, d1) -> (0, 0)>
module attributes {stable_mosaic.version = 14 : i64} {
  func.func @_sc_sort_body(%arg0: i32, %arg1: i32, %arg2: memref<2048xi32, #tpu.memory_space<hbm>>, %arg3: memref<2048x384xi32, #tpu.memory_space<hbm>>, %arg4: memref<2048x384xi32, #tpu.memory_space<hbm>>, %arg5: memref<80xi32, #tpu.memory_space<hbm>>, %arg6: memref<16x64xi32, #tpu.memory_space<vmem_shared>>, %arg7: memref<2048xi32, #tpu.memory_space<vmem_shared>>, %arg8: memref<128xi32, #tpu.memory_space<vmem>>, %arg9: memref<64xi32, #tpu.memory_space<vmem>>, %arg10: memref<16x64xi32, #tpu.memory_space<vmem>>, %arg11: memref<64xi32, #tpu.memory_space<vmem>>, %arg12: memref<80xi32, #tpu.memory_space<vmem>>, %arg13: memref<1x128xi32, #tpu.memory_space<vmem>>, %arg14: memref<128xi32, #tpu.memory_space<vmem>>, %arg15: memref<128xi32, #tpu.memory_space<vmem>>, %arg16: memref<128x384xi32, #tpu.memory_space<vmem>>, %arg17: memref<!tpu.dma_semaphore, #tpu.memory_space<semaphore_mem>>) attributes {dimension_semantics = [#tpu.dimension_semantics<core_parallel>, #tpu.dimension_semantics<subcore_parallel>], iteration_bounds = array<i64: 1, 16>, scalar_prefetch = 0 : i64, scratch_operands = 12 : i64, tpu.core_type = #tpu.core_type<sc_vector_subcore>, window_params = [{transform_indices = #map}, {transform_indices = #map1}, {transform_indices = #map1}, {transform_indices = #map}]} {
    %mul3A = arith.constant 128 : i32
    %mul3A_0 = arith.muli %arg1, %mul3A : i32
    %broadcast_in_dim3A = arith.constant 0 : i32
    %broadcast_in_dim3A_1 = vector.broadcast %broadcast_in_dim3A : i32 to vector<16xi32>
    "tpu.region"() ({
      %run_scoped3A_922 = tpu.sem_alloc : memref<!tpu.dma_semaphore, #tpu.memory_space<semaphore_mem>>
      %dma_start3A_923 = tpu.memref_slice %arg2[%mul3A_0] : memref<2048xi32, #tpu.memory_space<hbm>> -> memref<128xi32, #tpu.memory_space<hbm>>
      %dma_start3A_924 = tpu.memref_slice %arg2[%mul3A_0] : memref<2048xi32, #tpu.memory_space<hbm>> -> memref<128xi32, #tpu.memory_space<hbm>>
      tpu.enqueue_dma source(%dma_start3A_924 : memref<128xi32, #tpu.memory_space<hbm>>) target(%arg8 : memref<128xi32, #tpu.memory_space<vmem>>) target_semaphore(%run_scoped3A_922 : memref<!tpu.dma_semaphore, #tpu.memory_space<semaphore_mem>>)
      %dma_wait3A_925 = tpu.memref_slice %arg2[%mul3A_0] : memref<2048xi32, #tpu.memory_space<hbm>> -> memref<128xi32, #tpu.memory_space<hbm>>
      %dma_wait3A_926 = tpu.memref_slice %arg2[%mul3A_0] : memref<2048xi32, #tpu.memory_space<hbm>> -> memref<128xi32, #tpu.memory_space<hbm>>
      tpu.wait_dma2 semaphore(%run_scoped3A_922 : memref<!tpu.dma_semaphore, #tpu.memory_space<semaphore_mem>>) src(%dma_wait3A_926 : memref<128xi32, #tpu.memory_space<hbm>>) dst(%arg8 : memref<128xi32, #tpu.memory_space<vmem>>)
      tpu.yield
    }) : () -> ()
    %swap3A = arith.constant 0 : index
    %swap3A_2 = tpu.vector_load %arg9[%swap3A] {strides = array<i32>} : memref<64xi32, #tpu.memory_space<vmem>>, vector<16xi32>,
    tpu.vector_store %arg9[%swap3A], %broadcast_in_dim3A_1 {strides = array<i32>} : memref<64xi32, #tpu.memory_space<vmem>>, vector<16xi32>,
    %swap3A_3 = arith.constant 16 : index
    %swap3A_4 = tpu.vector_load %arg9[%swap3A_3] {strides = array<i32>} : memref<64xi32, #tpu.memory_space<vmem>>, vector<16xi32>,
    tpu.vector_store %arg9[%swap3A_3], %broadcast_in_dim3A_1 {strides = array<i32>} : memref<64xi32, #tpu.memory_space<vmem>>, vector<16xi32>,
    %swap3A_5 = arith.constant 32 : index
    %swap3A_6 = tpu.vector_load %arg9[%swap3A_5] {strides = array<i32>} : memref<64xi32, #tpu.memory_space<vmem>>, vector<16xi32>,
    tpu.vector_store %arg9[%swap3A_5], %broadcast_in_dim3A_1 {strides = array<i32>} : memref<64xi32, #tpu.memory_space<vmem>>, vector<16xi32>,
    %swap3A_7 = arith.constant 48 : index
    %swap3A_8 = tpu.vector_load %arg9[%swap3A_7] {strides = array<i32>} : memref<64xi32, #tpu.memory_space<vmem>>, vector<16xi32>,
    tpu.vector_store %arg9[%swap3A_7], %broadcast_in_dim3A_1 {strides = array<i32>} : memref<64xi32, #tpu.memory_space<vmem>>, vector<16xi32>,
    %get3A = arith.constant 0 : index
    %get3A_9 = tpu.vector_load %arg8[%get3A] {strides = array<i32>} : memref<128xi32, #tpu.memory_space<vmem>>, vector<16xi32>,
    %broadcast_in_dim3A_10 = arith.constant true
    %broadcast_in_dim3A_11 = vector.broadcast %broadcast_in_dim3A_10 : i1 to vector<16xi1>
    %unique3A, %unique3A_12 = tpu.scan_count mask(%broadcast_in_dim3A_11 : vector<16xi1>) value(%get3A_9 : vector<16xi32>) : vector<16xi1>, vector<16xi32>
    %gather3A = tpu.vector_load_idx %arg9[%get3A_9] : memref<64xi32, #tpu.memory_space<vmem>>[vector<16xi32>], vector<16xi32>,
    %add3A = arith.addi %gather3A, %unique3A_12 : vector<16xi32>
    tpu.vector_store_idx %arg9[%get3A_9], %add3A masked %unique3A : memref<64xi32, #tpu.memory_space<vmem>>[vector<16xi32>], vector<16xi32>, vector<16xi1>
    %get3A_13 = arith.constant 16 : index
    %get3A_14 = tpu.vector_load %arg8[%get3A_13] {strides = array<i32>} : memref<128xi32, #tpu.memory_space<vmem>>, vector<16xi32>,
    %broadcast_in_dim3A_15 = arith.constant true
    %broadcast_in_dim3A_16 = vector.broadcast %broadcast_in_dim3A_15 : i1 to vector<16xi1>
    %unique3A_17, %unique3A_18 = tpu.scan_count mask(%broadcast_in_dim3A_16 : vector<16xi1>) value(%get3A_14 : vector<16xi32>) : vector<16xi1>, vector<16xi32>
    %gather3A_19 = tpu.vector_load_idx %arg9[%get3A_14] : memref<64xi32, #tpu.memory_space<vmem>>[vector<16xi32>], vector<16xi32>,
    %add3A_20 = arith.addi %gather3A_19, %unique3A_18 : vector<16xi32>
    tpu.vector_store_idx %arg9[%get3A_14], %add3A_20 masked %unique3A_17 : memref<64xi32, #tpu.memory_space<vmem>>[vector<16xi32>], vector<16xi32>, vector<16xi1>
    %get3A_21 = arith.constant 32 : index
    %get3A_22 = tpu.vector_load %arg8[%get3A_21] {strides = array<i32>} : memref<128xi32, #tpu.memory_space<vmem>>, vector<16xi32>,
    %broadcast_in_dim3A_23 = arith.constant true
    %broadcast_in_dim3A_24 = vector.broadcast %broadcast_in_dim3A_23 : i1 to vector<16xi1>
    %unique3A_25, %unique3A_26 = tpu.scan_count mask(%broadcast_in_dim3A_24 : vector<16xi1>) value(%get3A_22 : vector<16xi32>) : vector<16xi1>, vector<16xi32>
    %gather3A_27 = tpu.vector_load_idx %arg9[%get3A_22] : memref<64xi32, #tpu.memory_space<vmem>>[vector<16xi32>], vector<16xi32>,
    %add3A_28 = arith.addi %gather3A_27, %unique3A_26 : vector<16xi32>
    tpu.vector_store_idx %arg9[%get3A_22], %add3A_28 masked %unique3A_25 : memref<64xi32, #tpu.memory_space<vmem>>[vector<16xi32>], vector<16xi32>, vector<16xi1>
    %get3A_29 = arith.constant 48 : index
    %get3A_30 = tpu.vector_load %arg8[%get3A_29] {strides = array<i32>} : memref<128xi32, #tpu.memory_space<vmem>>, vector<16xi32>,
    %broadcast_in_dim3A_31 = arith.constant true
    %broadcast_in_dim3A_32 = vector.broadcast %broadcast_in_dim3A_31 : i1 to vector<16xi1>
    %unique3A_33, %unique3A_34 = tpu.scan_count mask(%broadcast_in_dim3A_32 : vector<16xi1>) value(%get3A_30 : vector<16xi32>) : vector<16xi1>, vector<16xi32>
    %gather3A_35 = tpu.vector_load_idx %arg9[%get3A_30] : memref<64xi32, #tpu.memory_space<vmem>>[vector<16xi32>], vector<16xi32>,
    %add3A_36 = arith.addi %gather3A_35, %unique3A_34 : vector<16xi32>
    tpu.vector_store_idx %arg9[%get3A_30], %add3A_36 masked %unique3A_33 : memref<64xi32, #tpu.memory_space<vmem>>[vector<16xi32>], vector<16xi32>, vector<16xi1>
    %get3A_37 = arith.constant 64 : index
    %get3A_38 = tpu.vector_load %arg8[%get3A_37] {strides = array<i32>} : memref<128xi32, #tpu.memory_space<vmem>>, vector<16xi32>,
    %broadcast_in_dim3A_39 = arith.constant true
    %broadcast_in_dim3A_40 = vector.broadcast %broadcast_in_dim3A_39 : i1 to vector<16xi1>
    %unique3A_41, %unique3A_42 = tpu.scan_count mask(%broadcast_in_dim3A_40 : vector<16xi1>) value(%get3A_38 : vector<16xi32>) : vector<16xi1>, vector<16xi32>
    %gather3A_43 = tpu.vector_load_idx %arg9[%get3A_38] : memref<64xi32, #tpu.memory_space<vmem>>[vector<16xi32>], vector<16xi32>,
    %add3A_44 = arith.addi %gather3A_43, %unique3A_42 : vector<16xi32>
    tpu.vector_store_idx %arg9[%get3A_38], %add3A_44 masked %unique3A_41 : memref<64xi32, #tpu.memory_space<vmem>>[vector<16xi32>], vector<16xi32>, vector<16xi1>
    %get3A_45 = arith.constant 80 : index
    %get3A_46 = tpu.vector_load %arg8[%get3A_45] {strides = array<i32>} : memref<128xi32, #tpu.memory_space<vmem>>, vector<16xi32>,
    %broadcast_in_dim3A_47 = arith.constant true
    %broadcast_in_dim3A_48 = vector.broadcast %broadcast_in_dim3A_47 : i1 to vector<16xi1>
    %unique3A_49, %unique3A_50 = tpu.scan_count mask(%broadcast_in_dim3A_48 : vector<16xi1>) value(%get3A_46 : vector<16xi32>) : vector<16xi1>, vector<16xi32>
    %gather3A_51 = tpu.vector_load_idx %arg9[%get3A_46] : memref<64xi32, #tpu.memory_space<vmem>>[vector<16xi32>], vector<16xi32>,
    %add3A_52 = arith.addi %gather3A_51, %unique3A_50 : vector<16xi32>
    tpu.vector_store_idx %arg9[%get3A_46], %add3A_52 masked %unique3A_49 : memref<64xi32, #tpu.memory_space<vmem>>[vector<16xi32>], vector<16xi32>, vector<16xi1>
    %get3A_53 = arith.constant 96 : index
    %get3A_54 = tpu.vector_load %arg8[%get3A_53] {strides = array<i32>} : memref<128xi32, #tpu.memory_space<vmem>>, vector<16xi32>,
    %broadcast_in_dim3A_55 = arith.constant true
    %broadcast_in_dim3A_56 = vector.broadcast %broadcast_in_dim3A_55 : i1 to vector<16xi1>
    %unique3A_57, %unique3A_58 = tpu.scan_count mask(%broadcast_in_dim3A_56 : vector<16xi1>) value(%get3A_54 : vector<16xi32>) : vector<16xi1>, vector<16xi32>
    %gather3A_59 = tpu.vector_load_idx %arg9[%get3A_54] : memref<64xi32, #tpu.memory_space<vmem>>[vector<16xi32>], vector<16xi32>,
    %add3A_60 = arith.addi %gather3A_59, %unique3A_58 : vector<16xi32>
    tpu.vector_store_idx %arg9[%get3A_54], %add3A_60 masked %unique3A_57 : memref<64xi32, #tpu.memory_space<vmem>>[vector<16xi32>], vector<16xi32>, vector<16xi1>
    %get3A_61 = arith.constant 112 : index
    %get3A_62 = tpu.vector_load %arg8[%get3A_61] {strides = array<i32>} : memref<128xi32, #tpu.memory_space<vmem>>, vector<16xi32>,
    %broadcast_in_dim3A_63 = arith.constant true
    %broadcast_in_dim3A_64 = vector.broadcast %broadcast_in_dim3A_63 : i1 to vector<16xi1>
    %unique3A_65, %unique3A_66 = tpu.scan_count mask(%broadcast_in_dim3A_64 : vector<16xi1>) value(%get3A_62 : vector<16xi32>) : vector<16xi1>, vector<16xi32>
    %gather3A_67 = tpu.vector_load_idx %arg9[%get3A_62] : memref<64xi32, #tpu.memory_space<vmem>>[vector<16xi32>], vector<16xi32>,
    %add3A_68 = arith.addi %gather3A_67, %unique3A_66 : vector<16xi32>
    tpu.vector_store_idx %arg9[%get3A_62], %add3A_68 masked %unique3A_65 : memref<64xi32, #tpu.memory_space<vmem>>[vector<16xi32>], vector<16xi32>, vector<16xi1>
    "tpu.region"() ({
      %run_scoped3A_922 = tpu.sem_alloc : memref<!tpu.dma_semaphore, #tpu.memory_space<semaphore_mem>>
      %dma_start3A_923 = arith.constant 0 : i32
      %dma_start3A_924 = tpu.memref_slice %arg6[%arg1, %dma_start3A_923] : memref<16x64xi32, #tpu.memory_space<vmem_shared>> -> memref<1x64xi32, #tpu.memory_space<vmem_shared>>
      %dma_start3A_925 = tpu.memref_squeeze %dma_start3A_924 : memref<1x64xi32, #tpu.memory_space<vmem_shared>> -> memref<64xi32, #tpu.memory_space<vmem_shared>>
      %dma_start3A_926 = arith.constant 0 : i32
      %dma_start3A_927 = tpu.memref_slice %arg6[%arg1, %dma_start3A_926] : memref<16x64xi32, #tpu.memory_space<vmem_shared>> -> memref<1x64xi32, #tpu.memory_space<vmem_shared>>
      %dma_start3A_928 = tpu.memref_squeeze %dma_start3A_927 : memref<1x64xi32, #tpu.memory_space<vmem_shared>> -> memref<64xi32, #tpu.memory_space<vmem_shared>>
      tpu.enqueue_dma source(%arg9 : memref<64xi32, #tpu.memory_space<vmem>>) target(%dma_start3A_928 : memref<64xi32, #tpu.memory_space<vmem_shared>>) target_semaphore(%run_scoped3A_922 : memref<!tpu.dma_semaphore, #tpu.memory_space<semaphore_mem>>)
      %dma_wait3A_929 = arith.constant 0 : i32
      %dma_wait3A_930 = tpu.memref_slice %arg6[%arg1, %dma_wait3A_929] : memref<16x64xi32, #tpu.memory_space<vmem_shared>> -> memref<1x64xi32, #tpu.memory_space<vmem_shared>>
      %dma_wait3A_931 = tpu.memref_squeeze %dma_wait3A_930 : memref<1x64xi32, #tpu.memory_space<vmem_shared>> -> memref<64xi32, #tpu.memory_space<vmem_shared>>
      %dma_wait3A_932 = arith.constant 0 : i32
      %dma_wait3A_933 = tpu.memref_slice %arg6[%arg1, %dma_wait3A_932] : memref<16x64xi32, #tpu.memory_space<vmem_shared>> -> memref<1x64xi32, #tpu.memory_space<vmem_shared>>
      %dma_wait3A_934 = tpu.memref_squeeze %dma_wait3A_933 : memref<1x64xi32, #tpu.memory_space<vmem_shared>> -> memref<64xi32, #tpu.memory_space<vmem_shared>>
      tpu.wait_dma2 semaphore(%run_scoped3A_922 : memref<!tpu.dma_semaphore, #tpu.memory_space<semaphore_mem>>) src(%arg9 : memref<64xi32, #tpu.memory_space<vmem>>) dst(%dma_wait3A_934 : memref<64xi32, #tpu.memory_space<vmem_shared>>)
      tpu.yield
    }) : () -> ()
    %barrier3A = arith.constant 0 : index
    tpu.barrier barrier_id(%barrier3A)
    "tpu.region"() ({
      %run_scoped3A_922 = tpu.sem_alloc : memref<!tpu.dma_semaphore, #tpu.memory_space<semaphore_mem>>
      tpu.enqueue_dma source(%arg6 : memref<16x64xi32, #tpu.memory_space<vmem_shared>>) target(%arg10 : memref<16x64xi32, #tpu.memory_space<vmem>>) target_semaphore(%run_scoped3A_922 : memref<!tpu.dma_semaphore, #tpu.memory_space<semaphore_mem>>)
      tpu.wait_dma2 semaphore(%run_scoped3A_922 : memref<!tpu.dma_semaphore, #tpu.memory_space<semaphore_mem>>) src(%arg6 : memref<16x64xi32, #tpu.memory_space<vmem_shared>>) dst(%arg10 : memref<16x64xi32, #tpu.memory_space<vmem>>)
      tpu.yield
    }) : () -> ()
    %get3A_69 = arith.constant 0 : i32
    %get3A_70 = arith.index_cast %get3A_69 : i32 to index
    %get3A_71 = arith.constant 0 : index
    %get3A_72 = tpu.vector_load %arg10[%get3A_70, %get3A_71] {strides = array<i32>} : memref<16x64xi32, #tpu.memory_space<vmem>>, vector<16xi32>,
    %add3A_73 = arith.addi %broadcast_in_dim3A_1, %get3A_72 : vector<16xi32>
    %gt3A = arith.constant 0 : i32
    %gt3A_74 = arith.cmpi sgt, %arg1, %gt3A : i32
    %select_n3A = arith.select %gt3A_74, %get3A_72, %broadcast_in_dim3A_1 : vector<16xi32>
    %add3A_75 = arith.addi %broadcast_in_dim3A_1, %select_n3A : vector<16xi32>
    %get3A_76 = arith.constant 1 : i32
    %get3A_77 = arith.index_cast %get3A_76 : i32 to index
    %get3A_78 = arith.constant 0 : index
    %get3A_79 = tpu.vector_load %arg10[%get3A_77, %get3A_78] {strides = array<i32>} : memref<16x64xi32, #tpu.memory_space<vmem>>, vector<16xi32>,
    %add3A_80 = arith.addi %add3A_73, %get3A_79 : vector<16xi32>
    %gt3A_81 = arith.constant 1 : i32
    %gt3A_82 = arith.cmpi sgt, %arg1, %gt3A_81 : i32
    %select_n3A_83 = arith.select %gt3A_82, %get3A_79, %broadcast_in_dim3A_1 : vector<16xi32>
    %add3A_84 = arith.addi %add3A_75, %select_n3A_83 : vector<16xi32>
    %get3A_85 = arith.constant 2 : i32
    %get3A_86 = arith.index_cast %get3A_85 : i32 to index
    %get3A_87 = arith.constant 0 : index
    %get3A_88 = tpu.vector_load %arg10[%get3A_86, %get3A_87] {strides = array<i32>} : memref<16x64xi32, #tpu.memory_space<vmem>>, vector<16xi32>,
    %add3A_89 = arith.addi %add3A_80, %get3A_88 : vector<16xi32>
    %gt3A_90 = arith.constant 2 : i32
    %gt3A_91 = arith.cmpi sgt, %arg1, %gt3A_90 : i32
    %select_n3A_92 = arith.select %gt3A_91, %get3A_88, %broadcast_in_dim3A_1 : vector<16xi32>
    %add3A_93 = arith.addi %add3A_84, %select_n3A_92 : vector<16xi32>
    %get3A_94 = arith.constant 3 : i32
    %get3A_95 = arith.index_cast %get3A_94 : i32 to index
    %get3A_96 = arith.constant 0 : index
    %get3A_97 = tpu.vector_load %arg10[%get3A_95, %get3A_96] {strides = array<i32>} : memref<16x64xi32, #tpu.memory_space<vmem>>, vector<16xi32>,
    %add3A_98 = arith.addi %add3A_89, %get3A_97 : vector<16xi32>
    %gt3A_99 = arith.constant 3 : i32
    %gt3A_100 = arith.cmpi sgt, %arg1, %gt3A_99 : i32
    %select_n3A_101 = arith.select %gt3A_100, %get3A_97, %broadcast_in_dim3A_1 : vector<16xi32>
    %add3A_102 = arith.addi %add3A_93, %select_n3A_101 : vector<16xi32>
    %get3A_103 = arith.constant 4 : i32
    %get3A_104 = arith.index_cast %get3A_103 : i32 to index
    %get3A_105 = arith.constant 0 : index
    %get3A_106 = tpu.vector_load %arg10[%get3A_104, %get3A_105] {strides = array<i32>} : memref<16x64xi32, #tpu.memory_space<vmem>>, vector<16xi32>,
    %add3A_107 = arith.addi %add3A_98, %get3A_106 : vector<16xi32>
    %gt3A_108 = arith.constant 4 : i32
    %gt3A_109 = arith.cmpi sgt, %arg1, %gt3A_108 : i32
    %select_n3A_110 = arith.select %gt3A_109, %get3A_106, %broadcast_in_dim3A_1 : vector<16xi32>
    %add3A_111 = arith.addi %add3A_102, %select_n3A_110 : vector<16xi32>
    %get3A_112 = arith.constant 5 : i32
    %get3A_113 = arith.index_cast %get3A_112 : i32 to index
    %get3A_114 = arith.constant 0 : index
    %get3A_115 = tpu.vector_load %arg10[%get3A_113, %get3A_114] {strides = array<i32>} : memref<16x64xi32, #tpu.memory_space<vmem>>, vector<16xi32>,
    %add3A_116 = arith.addi %add3A_107, %get3A_115 : vector<16xi32>
    %gt3A_117 = arith.constant 5 : i32
    %gt3A_118 = arith.cmpi sgt, %arg1, %gt3A_117 : i32
    %select_n3A_119 = arith.select %gt3A_118, %get3A_115, %broadcast_in_dim3A_1 : vector<16xi32>
    %add3A_120 = arith.addi %add3A_111, %select_n3A_119 : vector<16xi32>
    %get3A_121 = arith.constant 6 : i32
    %get3A_122 = arith.index_cast %get3A_121 : i32 to index
    %get3A_123 = arith.constant 0 : index
    %get3A_124 = tpu.vector_load %arg10[%get3A_122, %get3A_123] {strides = array<i32>} : memref<16x64xi32, #tpu.memory_space<vmem>>, vector<16xi32>,
    %add3A_125 = arith.addi %add3A_116, %get3A_124 : vector<16xi32>
    %gt3A_126 = arith.constant 6 : i32
    %gt3A_127 = arith.cmpi sgt, %arg1, %gt3A_126 : i32
    %select_n3A_128 = arith.select %gt3A_127, %get3A_124, %broadcast_in_dim3A_1 : vector<16xi32>
    %add3A_129 = arith.addi %add3A_120, %select_n3A_128 : vector<16xi32>
    %get3A_130 = arith.constant 7 : i32
    %get3A_131 = arith.index_cast %get3A_130 : i32 to index
    %get3A_132 = arith.constant 0 : index
    %get3A_133 = tpu.vector_load %arg10[%get3A_131, %get3A_132] {strides = array<i32>} : memref<16x64xi32, #tpu.memory_space<vmem>>, vector<16xi32>,
    %add3A_134 = arith.addi %add3A_125, %get3A_133 : vector<16xi32>
    %gt3A_135 = arith.constant 7 : i32
    %gt3A_136 = arith.cmpi sgt, %arg1, %gt3A_135 : i32
    %select_n3A_137 = arith.select %gt3A_136, %get3A_133, %broadcast_in_dim3A_1 : vector<16xi32>
    %add3A_138 = arith.addi %add3A_129, %select_n3A_137 : vector<16xi32>
    %get3A_139 = arith.constant 8 : i32
    %get3A_140 = arith.index_cast %get3A_139 : i32 to index
    %get3A_141 = arith.constant 0 : index
    %get3A_142 = tpu.vector_load %arg10[%get3A_140, %get3A_141] {strides = array<i32>} : memref<16x64xi32, #tpu.memory_space<vmem>>, vector<16xi32>,
    %add3A_143 = arith.addi %add3A_134, %get3A_142 : vector<16xi32>
    %gt3A_144 = arith.constant 8 : i32
    %gt3A_145 = arith.cmpi sgt, %arg1, %gt3A_144 : i32
    %select_n3A_146 = arith.select %gt3A_145, %get3A_142, %broadcast_in_dim3A_1 : vector<16xi32>
    %add3A_147 = arith.addi %add3A_138, %select_n3A_146 : vector<16xi32>
    %get3A_148 = arith.constant 9 : i32
    %get3A_149 = arith.index_cast %get3A_148 : i32 to index
    %get3A_150 = arith.constant 0 : index
    %get3A_151 = tpu.vector_load %arg10[%get3A_149, %get3A_150] {strides = array<i32>} : memref<16x64xi32, #tpu.memory_space<vmem>>, vector<16xi32>,
    %add3A_152 = arith.addi %add3A_143, %get3A_151 : vector<16xi32>
    %gt3A_153 = arith.constant 9 : i32
    %gt3A_154 = arith.cmpi sgt, %arg1, %gt3A_153 : i32
    %select_n3A_155 = arith.select %gt3A_154, %get3A_151, %broadcast_in_dim3A_1 : vector<16xi32>
    %add3A_156 = arith.addi %add3A_147, %select_n3A_155 : vector<16xi32>
    %get3A_157 = arith.constant 10 : i32
    %get3A_158 = arith.index_cast %get3A_157 : i32 to index
    %get3A_159 = arith.constant 0 : index
    %get3A_160 = tpu.vector_load %arg10[%get3A_158, %get3A_159] {strides = array<i32>} : memref<16x64xi32, #tpu.memory_space<vmem>>, vector<16xi32>,
    %add3A_161 = arith.addi %add3A_152, %get3A_160 : vector<16xi32>
    %gt3A_162 = arith.constant 10 : i32
    %gt3A_163 = arith.cmpi sgt, %arg1, %gt3A_162 : i32
    %select_n3A_164 = arith.select %gt3A_163, %get3A_160, %broadcast_in_dim3A_1 : vector<16xi32>
    %add3A_165 = arith.addi %add3A_156, %select_n3A_164 : vector<16xi32>
    %get3A_166 = arith.constant 11 : i32
    %get3A_167 = arith.index_cast %get3A_166 : i32 to index
    %get3A_168 = arith.constant 0 : index
    %get3A_169 = tpu.vector_load %arg10[%get3A_167, %get3A_168] {strides = array<i32>} : memref<16x64xi32, #tpu.memory_space<vmem>>, vector<16xi32>,
    %add3A_170 = arith.addi %add3A_161, %get3A_169 : vector<16xi32>
    %gt3A_171 = arith.constant 11 : i32
    %gt3A_172 = arith.cmpi sgt, %arg1, %gt3A_171 : i32
    %select_n3A_173 = arith.select %gt3A_172, %get3A_169, %broadcast_in_dim3A_1 : vector<16xi32>
    %add3A_174 = arith.addi %add3A_165, %select_n3A_173 : vector<16xi32>
    %get3A_175 = arith.constant 12 : i32
    %get3A_176 = arith.index_cast %get3A_175 : i32 to index
    %get3A_177 = arith.constant 0 : index
    %get3A_178 = tpu.vector_load %arg10[%get3A_176, %get3A_177] {strides = array<i32>} : memref<16x64xi32, #tpu.memory_space<vmem>>, vector<16xi32>,
    %add3A_179 = arith.addi %add3A_170, %get3A_178 : vector<16xi32>
    %gt3A_180 = arith.constant 12 : i32
    %gt3A_181 = arith.cmpi sgt, %arg1, %gt3A_180 : i32
    %select_n3A_182 = arith.select %gt3A_181, %get3A_178, %broadcast_in_dim3A_1 : vector<16xi32>
    %add3A_183 = arith.addi %add3A_174, %select_n3A_182 : vector<16xi32>
    %get3A_184 = arith.constant 13 : i32
    %get3A_185 = arith.index_cast %get3A_184 : i32 to index
    %get3A_186 = arith.constant 0 : index
    %get3A_187 = tpu.vector_load %arg10[%get3A_185, %get3A_186] {strides = array<i32>} : memref<16x64xi32, #tpu.memory_space<vmem>>, vector<16xi32>,
    %add3A_188 = arith.addi %add3A_179, %get3A_187 : vector<16xi32>
    %gt3A_189 = arith.constant 13 : i32
    %gt3A_190 = arith.cmpi sgt, %arg1, %gt3A_189 : i32
    %select_n3A_191 = arith.select %gt3A_190, %get3A_187, %broadcast_in_dim3A_1 : vector<16xi32>
    %add3A_192 = arith.addi %add3A_183, %select_n3A_191 : vector<16xi32>
    %get3A_193 = arith.constant 14 : i32
    %get3A_194 = arith.index_cast %get3A_193 : i32 to index
    %get3A_195 = arith.constant 0 : index
    %get3A_196 = tpu.vector_load %arg10[%get3A_194, %get3A_195] {strides = array<i32>} : memref<16x64xi32, #tpu.memory_space<vmem>>, vector<16xi32>,
    %add3A_197 = arith.addi %add3A_188, %get3A_196 : vector<16xi32>
    %gt3A_198 = arith.constant 14 : i32
    %gt3A_199 = arith.cmpi sgt, %arg1, %gt3A_198 : i32
    %select_n3A_200 = arith.select %gt3A_199, %get3A_196, %broadcast_in_dim3A_1 : vector<16xi32>
    %add3A_201 = arith.addi %add3A_192, %select_n3A_200 : vector<16xi32>
    %get3A_202 = arith.constant 15 : i32
    %get3A_203 = arith.index_cast %get3A_202 : i32 to index
    %get3A_204 = arith.constant 0 : index
    %get3A_205 = tpu.vector_load %arg10[%get3A_203, %get3A_204] {strides = array<i32>} : memref<16x64xi32, #tpu.memory_space<vmem>>, vector<16xi32>,
    %add3A_206 = arith.addi %add3A_197, %get3A_205 : vector<16xi32>
    %gt3A_207 = arith.constant 15 : i32
    %gt3A_208 = arith.cmpi sgt, %arg1, %gt3A_207 : i32
    %select_n3A_209 = arith.select %gt3A_208, %get3A_205, %broadcast_in_dim3A_1 : vector<16xi32>
    %add3A_210 = arith.addi %add3A_201, %select_n3A_209 : vector<16xi32>
    %broadcast_in_dim3A_211 = arith.constant true
    %broadcast_in_dim3A_212 = vector.broadcast %broadcast_in_dim3A_211 : i1 to vector<16xi1>
    %masked_cumsum3A = tpu.scan <sum>, %add3A_206 masked %broadcast_in_dim3A_212 : vector<16xi32>, vector<16xi1> -> vector<16xi32>
    %sub3A = arith.subi %masked_cumsum3A, %add3A_206 : vector<16xi32>
    %add3A_213 = arith.constant 0 : i32
    %add3A_214 = vector.broadcast %add3A_213 : i32 to vector<16xi32>
    %add3A_215 = arith.addi %sub3A, %add3A_214 : vector<16xi32>
    %add3A_216 = arith.addi %add3A_215, %add3A_210 : vector<16xi32>
    %swap3A_217 = arith.constant 0 : index
    %swap3A_218 = tpu.vector_load %arg11[%swap3A_217] {strides = array<i32>} : memref<64xi32, #tpu.memory_space<vmem>>, vector<16xi32>,
    tpu.vector_store %arg11[%swap3A_217], %add3A_216 {strides = array<i32>} : memref<64xi32, #tpu.memory_space<vmem>>, vector<16xi32>,
    %swap3A_219 = arith.constant 0 : index
    %swap3A_220 = tpu.vector_load %arg12[%swap3A_219] {strides = array<i32>} : memref<80xi32, #tpu.memory_space<vmem>>, vector<16xi32>,
    tpu.vector_store %arg12[%swap3A_219], %add3A_215 {strides = array<i32>} : memref<80xi32, #tpu.memory_space<vmem>>, vector<16xi32>,
    %reduce_sum3A = arith.constant true
    %reduce_sum3A_221 = vector.broadcast %reduce_sum3A : i1 to vector<16xi1>
    %reduce_sum3A_222 = tpu.scan <sum>, %add3A_206 masked %reduce_sum3A_221 : vector<16xi32>, vector<16xi1> -> vector<16xi32>
    %reduce_sum3A_223 = vector.extract %reduce_sum3A_222[15] : i32 from vector<16xi32>
    %add3A_224 = arith.constant 0 : i32
    %add3A_225 = arith.addi %add3A_224, %reduce_sum3A_223 : i32
    %get3A_226 = arith.constant 0 : i32
    %get3A_227 = arith.index_cast %get3A_226 : i32 to index
    %get3A_228 = arith.constant 16 : index
    %get3A_229 = tpu.vector_load %arg10[%get3A_227, %get3A_228] {strides = array<i32>} : memref<16x64xi32, #tpu.memory_space<vmem>>, vector<16xi32>,
    %add3A_230 = arith.addi %broadcast_in_dim3A_1, %get3A_229 : vector<16xi32>
    %gt3A_231 = arith.constant 0 : i32
    %gt3A_232 = arith.cmpi sgt, %arg1, %gt3A_231 : i32
    %select_n3A_233 = arith.select %gt3A_232, %get3A_229, %broadcast_in_dim3A_1 : vector<16xi32>
    %add3A_234 = arith.addi %broadcast_in_dim3A_1, %select_n3A_233 : vector<16xi32>
    %get3A_235 = arith.constant 1 : i32
    %get3A_236 = arith.index_cast %get3A_235 : i32 to index
    %get3A_237 = arith.constant 16 : index
    %get3A_238 = tpu.vector_load %arg10[%get3A_236, %get3A_237] {strides = array<i32>} : memref<16x64xi32, #tpu.memory_space<vmem>>, vector<16xi32>,
    %add3A_239 = arith.addi %add3A_230, %get3A_238 : vector<16xi32>
    %gt3A_240 = arith.constant 1 : i32
    %gt3A_241 = arith.cmpi sgt, %arg1, %gt3A_240 : i32
    %select_n3A_242 = arith.select %gt3A_241, %get3A_238, %broadcast_in_dim3A_1 : vector<16xi32>
    %add3A_243 = arith.addi %add3A_234, %select_n3A_242 : vector<16xi32>
    %get3A_244 = arith.constant 2 : i32
    %get3A_245 = arith.index_cast %get3A_244 : i32 to index
    %get3A_246 = arith.constant 16 : index
    %get3A_247 = tpu.vector_load %arg10[%get3A_245, %get3A_246] {strides = array<i32>} : memref<16x64xi32, #tpu.memory_space<vmem>>, vector<16xi32>,
    %add3A_248 = arith.addi %add3A_239, %get3A_247 : vector<16xi32>
    %gt3A_249 = arith.constant 2 : i32
    %gt3A_250 = arith.cmpi sgt, %arg1, %gt3A_249 : i32
    %select_n3A_251 = arith.select %gt3A_250, %get3A_247, %broadcast_in_dim3A_1 : vector<16xi32>
    %add3A_252 = arith.addi %add3A_243, %select_n3A_251 : vector<16xi32>
    %get3A_253 = arith.constant 3 : i32
    %get3A_254 = arith.index_cast %get3A_253 : i32 to index
    %get3A_255 = arith.constant 16 : index
    %get3A_256 = tpu.vector_load %arg10[%get3A_254, %get3A_255] {strides = array<i32>} : memref<16x64xi32, #tpu.memory_space<vmem>>, vector<16xi32>,
    %add3A_257 = arith.addi %add3A_248, %get3A_256 : vector<16xi32>
    %gt3A_258 = arith.constant 3 : i32
    %gt3A_259 = arith.cmpi sgt, %arg1, %gt3A_258 : i32
    %select_n3A_260 = arith.select %gt3A_259, %get3A_256, %broadcast_in_dim3A_1 : vector<16xi32>
    %add3A_261 = arith.addi %add3A_252, %select_n3A_260 : vector<16xi32>
    %get3A_262 = arith.constant 4 : i32
    %get3A_263 = arith.index_cast %get3A_262 : i32 to index
    %get3A_264 = arith.constant 16 : index
    %get3A_265 = tpu.vector_load %arg10[%get3A_263, %get3A_264] {strides = array<i32>} : memref<16x64xi32, #tpu.memory_space<vmem>>, vector<16xi32>,
    %add3A_266 = arith.addi %add3A_257, %get3A_265 : vector<16xi32>
    %gt3A_267 = arith.constant 4 : i32
    %gt3A_268 = arith.cmpi sgt, %arg1, %gt3A_267 : i32
    %select_n3A_269 = arith.select %gt3A_268, %get3A_265, %broadcast_in_dim3A_1 : vector<16xi32>
    %add3A_270 = arith.addi %add3A_261, %select_n3A_269 : vector<16xi32>
    %get3A_271 = arith.constant 5 : i32
    %get3A_272 = arith.index_cast %get3A_271 : i32 to index
    %get3A_273 = arith.constant 16 : index
    %get3A_274 = tpu.vector_load %arg10[%get3A_272, %get3A_273] {strides = array<i32>} : memref<16x64xi32, #tpu.memory_space<vmem>>, vector<16xi32>,
    %add3A_275 = arith.addi %add3A_266, %get3A_274 : vector<16xi32>
    %gt3A_276 = arith.constant 5 : i32
    %gt3A_277 = arith.cmpi sgt, %arg1, %gt3A_276 : i32
    %select_n3A_278 = arith.select %gt3A_277, %get3A_274, %broadcast_in_dim3A_1 : vector<16xi32>
    %add3A_279 = arith.addi %add3A_270, %select_n3A_278 : vector<16xi32>
    %get3A_280 = arith.constant 6 : i32
    %get3A_281 = arith.index_cast %get3A_280 : i32 to index
    %get3A_282 = arith.constant 16 : index
    %get3A_283 = tpu.vector_load %arg10[%get3A_281, %get3A_282] {strides = array<i32>} : memref<16x64xi32, #tpu.memory_space<vmem>>, vector<16xi32>,
    %add3A_284 = arith.addi %add3A_275, %get3A_283 : vector<16xi32>
    %gt3A_285 = arith.constant 6 : i32
    %gt3A_286 = arith.cmpi sgt, %arg1, %gt3A_285 : i32
    %select_n3A_287 = arith.select %gt3A_286, %get3A_283, %broadcast_in_dim3A_1 : vector<16xi32>
    %add3A_288 = arith.addi %add3A_279, %select_n3A_287 : vector<16xi32>
    %get3A_289 = arith.constant 7 : i32
    %get3A_290 = arith.index_cast %get3A_289 : i32 to index
    %get3A_291 = arith.constant 16 : index
    %get3A_292 = tpu.vector_load %arg10[%get3A_290, %get3A_291] {strides = array<i32>} : memref<16x64xi32, #tpu.memory_space<vmem>>, vector<16xi32>,
    %add3A_293 = arith.addi %add3A_284, %get3A_292 : vector<16xi32>
    %gt3A_294 = arith.constant 7 : i32
    %gt3A_295 = arith.cmpi sgt, %arg1, %gt3A_294 : i32
    %select_n3A_296 = arith.select %gt3A_295, %get3A_292, %broadcast_in_dim3A_1 : vector<16xi32>
    %add3A_297 = arith.addi %add3A_288, %select_n3A_296 : vector<16xi32>
    %get3A_298 = arith.constant 8 : i32
    %get3A_299 = arith.index_cast %get3A_298 : i32 to index
    %get3A_300 = arith.constant 16 : index
    %get3A_301 = tpu.vector_load %arg10[%get3A_299, %get3A_300] {strides = array<i32>} : memref<16x64xi32, #tpu.memory_space<vmem>>, vector<16xi32>,
    %add3A_302 = arith.addi %add3A_293, %get3A_301 : vector<16xi32>
    %gt3A_303 = arith.constant 8 : i32
    %gt3A_304 = arith.cmpi sgt, %arg1, %gt3A_303 : i32
    %select_n3A_305 = arith.select %gt3A_304, %get3A_301, %broadcast_in_dim3A_1 : vector<16xi32>
    %add3A_306 = arith.addi %add3A_297, %select_n3A_305 : vector<16xi32>
    %get3A_307 = arith.constant 9 : i32
    %get3A_308 = arith.index_cast %get3A_307 : i32 to index
    %get3A_309 = arith.constant 16 : index
    %get3A_310 = tpu.vector_load %arg10[%get3A_308, %get3A_309] {strides = array<i32>} : memref<16x64xi32, #tpu.memory_space<vmem>>, vector<16xi32>,
    %add3A_311 = arith.addi %add3A_302, %get3A_310 : vector<16xi32>
    %gt3A_312 = arith.constant 9 : i32
    %gt3A_313 = arith.cmpi sgt, %arg1, %gt3A_312 : i32
    %select_n3A_314 = arith.select %gt3A_313, %get3A_310, %broadcast_in_dim3A_1 : vector<16xi32>
    %add3A_315 = arith.addi %add3A_306, %select_n3A_314 : vector<16xi32>
    %get3A_316 = arith.constant 10 : i32
    %get3A_317 = arith.index_cast %get3A_316 : i32 to index
    %get3A_318 = arith.constant 16 : index
    %get3A_319 = tpu.vector_load %arg10[%get3A_317, %get3A_318] {strides = array<i32>} : memref<16x64xi32, #tpu.memory_space<vmem>>, vector<16xi32>,
    %add3A_320 = arith.addi %add3A_311, %get3A_319 : vector<16xi32>
    %gt3A_321 = arith.constant 10 : i32
    %gt3A_322 = arith.cmpi sgt, %arg1, %gt3A_321 : i32
    %select_n3A_323 = arith.select %gt3A_322, %get3A_319, %broadcast_in_dim3A_1 : vector<16xi32>
    %add3A_324 = arith.addi %add3A_315, %select_n3A_323 : vector<16xi32>
    %get3A_325 = arith.constant 11 : i32
    %get3A_326 = arith.index_cast %get3A_325 : i32 to index
    %get3A_327 = arith.constant 16 : index
    %get3A_328 = tpu.vector_load %arg10[%get3A_326, %get3A_327] {strides = array<i32>} : memref<16x64xi32, #tpu.memory_space<vmem>>, vector<16xi32>,
    %add3A_329 = arith.addi %add3A_320, %get3A_328 : vector<16xi32>
    %gt3A_330 = arith.constant 11 : i32
    %gt3A_331 = arith.cmpi sgt, %arg1, %gt3A_330 : i32
    %select_n3A_332 = arith.select %gt3A_331, %get3A_328, %broadcast_in_dim3A_1 : vector<16xi32>
    %add3A_333 = arith.addi %add3A_324, %select_n3A_332 : vector<16xi32>
    %get3A_334 = arith.constant 12 : i32
    %get3A_335 = arith.index_cast %get3A_334 : i32 to index
    %get3A_336 = arith.constant 16 : index
    %get3A_337 = tpu.vector_load %arg10[%get3A_335, %get3A_336] {strides = array<i32>} : memref<16x64xi32, #tpu.memory_space<vmem>>, vector<16xi32>,
    %add3A_338 = arith.addi %add3A_329, %get3A_337 : vector<16xi32>
    %gt3A_339 = arith.constant 12 : i32
    %gt3A_340 = arith.cmpi sgt, %arg1, %gt3A_339 : i32
    %select_n3A_341 = arith.select %gt3A_340, %get3A_337, %broadcast_in_dim3A_1 : vector<16xi32>
    %add3A_342 = arith.addi %add3A_333, %select_n3A_341 : vector<16xi32>
    %get3A_343 = arith.constant 13 : i32
    %get3A_344 = arith.index_cast %get3A_343 : i32 to index
    %get3A_345 = arith.constant 16 : index
    %get3A_346 = tpu.vector_load %arg10[%get3A_344, %get3A_345] {strides = array<i32>} : memref<16x64xi32, #tpu.memory_space<vmem>>, vector<16xi32>,
    %add3A_347 = arith.addi %add3A_338, %get3A_346 : vector<16xi32>
    %gt3A_348 = arith.constant 13 : i32
    %gt3A_349 = arith.cmpi sgt, %arg1, %gt3A_348 : i32
    %select_n3A_350 = arith.select %gt3A_349, %get3A_346, %broadcast_in_dim3A_1 : vector<16xi32>
    %add3A_351 = arith.addi %add3A_342, %select_n3A_350 : vector<16xi32>
    %get3A_352 = arith.constant 14 : i32
    %get3A_353 = arith.index_cast %get3A_352 : i32 to index
    %get3A_354 = arith.constant 16 : index
    %get3A_355 = tpu.vector_load %arg10[%get3A_353, %get3A_354] {strides = array<i32>} : memref<16x64xi32, #tpu.memory_space<vmem>>, vector<16xi32>,
    %add3A_356 = arith.addi %add3A_347, %get3A_355 : vector<16xi32>
    %gt3A_357 = arith.constant 14 : i32
    %gt3A_358 = arith.cmpi sgt, %arg1, %gt3A_357 : i32
    %select_n3A_359 = arith.select %gt3A_358, %get3A_355, %broadcast_in_dim3A_1 : vector<16xi32>
    %add3A_360 = arith.addi %add3A_351, %select_n3A_359 : vector<16xi32>
    %get3A_361 = arith.constant 15 : i32
    %get3A_362 = arith.index_cast %get3A_361 : i32 to index
    %get3A_363 = arith.constant 16 : index
    %get3A_364 = tpu.vector_load %arg10[%get3A_362, %get3A_363] {strides = array<i32>} : memref<16x64xi32, #tpu.memory_space<vmem>>, vector<16xi32>,
    %add3A_365 = arith.addi %add3A_356, %get3A_364 : vector<16xi32>
    %gt3A_366 = arith.constant 15 : i32
    %gt3A_367 = arith.cmpi sgt, %arg1, %gt3A_366 : i32
    %select_n3A_368 = arith.select %gt3A_367, %get3A_364, %broadcast_in_dim3A_1 : vector<16xi32>
    %add3A_369 = arith.addi %add3A_360, %select_n3A_368 : vector<16xi32>
    %broadcast_in_dim3A_370 = arith.constant true
    %broadcast_in_dim3A_371 = vector.broadcast %broadcast_in_dim3A_370 : i1 to vector<16xi1>
    %masked_cumsum3A_372 = tpu.scan <sum>, %add3A_365 masked %broadcast_in_dim3A_371 : vector<16xi32>, vector<16xi1> -> vector<16xi32>
    %sub3A_373 = arith.subi %masked_cumsum3A_372, %add3A_365 : vector<16xi32>
    %add3A_374 = vector.broadcast %add3A_225 : i32 to vector<16xi32>
    %add3A_375 = arith.addi %sub3A_373, %add3A_374 : vector<16xi32>
    %add3A_376 = arith.addi %add3A_375, %add3A_369 : vector<16xi32>
    %swap3A_377 = arith.constant 16 : index
    %swap3A_378 = tpu.vector_load %arg11[%swap3A_377] {strides = array<i32>} : memref<64xi32, #tpu.memory_space<vmem>>, vector<16xi32>,
    tpu.vector_store %arg11[%swap3A_377], %add3A_376 {strides = array<i32>} : memref<64xi32, #tpu.memory_space<vmem>>, vector<16xi32>,
    %swap3A_379 = arith.constant 16 : index
    %swap3A_380 = tpu.vector_load %arg12[%swap3A_379] {strides = array<i32>} : memref<80xi32, #tpu.memory_space<vmem>>, vector<16xi32>,
    tpu.vector_store %arg12[%swap3A_379], %add3A_375 {strides = array<i32>} : memref<80xi32, #tpu.memory_space<vmem>>, vector<16xi32>,
    %reduce_sum3A_381 = arith.constant true
    %reduce_sum3A_382 = vector.broadcast %reduce_sum3A_381 : i1 to vector<16xi1>
    %reduce_sum3A_383 = tpu.scan <sum>, %add3A_365 masked %reduce_sum3A_382 : vector<16xi32>, vector<16xi1> -> vector<16xi32>
    %reduce_sum3A_384 = vector.extract %reduce_sum3A_383[15] : i32 from vector<16xi32>
    %add3A_385 = arith.addi %add3A_225, %reduce_sum3A_384 : i32
    %get3A_386 = arith.constant 0 : i32
    %get3A_387 = arith.index_cast %get3A_386 : i32 to index
    %get3A_388 = arith.constant 32 : index
    %get3A_389 = tpu.vector_load %arg10[%get3A_387, %get3A_388] {strides = array<i32>} : memref<16x64xi32, #tpu.memory_space<vmem>>, vector<16xi32>,
    %add3A_390 = arith.addi %broadcast_in_dim3A_1, %get3A_389 : vector<16xi32>
    %gt3A_391 = arith.constant 0 : i32
    %gt3A_392 = arith.cmpi sgt, %arg1, %gt3A_391 : i32
    %select_n3A_393 = arith.select %gt3A_392, %get3A_389, %broadcast_in_dim3A_1 : vector<16xi32>
    %add3A_394 = arith.addi %broadcast_in_dim3A_1, %select_n3A_393 : vector<16xi32>
    %get3A_395 = arith.constant 1 : i32
    %get3A_396 = arith.index_cast %get3A_395 : i32 to index
    %get3A_397 = arith.constant 32 : index
    %get3A_398 = tpu.vector_load %arg10[%get3A_396, %get3A_397] {strides = array<i32>} : memref<16x64xi32, #tpu.memory_space<vmem>>, vector<16xi32>,
    %add3A_399 = arith.addi %add3A_390, %get3A_398 : vector<16xi32>
    %gt3A_400 = arith.constant 1 : i32
    %gt3A_401 = arith.cmpi sgt, %arg1, %gt3A_400 : i32
    %select_n3A_402 = arith.select %gt3A_401, %get3A_398, %broadcast_in_dim3A_1 : vector<16xi32>
    %add3A_403 = arith.addi %add3A_394, %select_n3A_402 : vector<16xi32>
    %get3A_404 = arith.constant 2 : i32
    %get3A_405 = arith.index_cast %get3A_404 : i32 to index
    %get3A_406 = arith.constant 32 : index
    %get3A_407 = tpu.vector_load %arg10[%get3A_405, %get3A_406] {strides = array<i32>} : memref<16x64xi32, #tpu.memory_space<vmem>>, vector<16xi32>,
    %add3A_408 = arith.addi %add3A_399, %get3A_407 : vector<16xi32>
    %gt3A_409 = arith.constant 2 : i32
    %gt3A_410 = arith.cmpi sgt, %arg1, %gt3A_409 : i32
    %select_n3A_411 = arith.select %gt3A_410, %get3A_407, %broadcast_in_dim3A_1 : vector<16xi32>
    %add3A_412 = arith.addi %add3A_403, %select_n3A_411 : vector<16xi32>
    %get3A_413 = arith.constant 3 : i32
    %get3A_414 = arith.index_cast %get3A_413 : i32 to index
    %get3A_415 = arith.constant 32 : index
    %get3A_416 = tpu.vector_load %arg10[%get3A_414, %get3A_415] {strides = array<i32>} : memref<16x64xi32, #tpu.memory_space<vmem>>, vector<16xi32>,
    %add3A_417 = arith.addi %add3A_408, %get3A_416 : vector<16xi32>
    %gt3A_418 = arith.constant 3 : i32
    %gt3A_419 = arith.cmpi sgt, %arg1, %gt3A_418 : i32
    %select_n3A_420 = arith.select %gt3A_419, %get3A_416, %broadcast_in_dim3A_1 : vector<16xi32>
    %add3A_421 = arith.addi %add3A_412, %select_n3A_420 : vector<16xi32>
    %get3A_422 = arith.constant 4 : i32
    %get3A_423 = arith.index_cast %get3A_422 : i32 to index
    %get3A_424 = arith.constant 32 : index
    %get3A_425 = tpu.vector_load %arg10[%get3A_423, %get3A_424] {strides = array<i32>} : memref<16x64xi32, #tpu.memory_space<vmem>>, vector<16xi32>,
    %add3A_426 = arith.addi %add3A_417, %get3A_425 : vector<16xi32>
    %gt3A_427 = arith.constant 4 : i32
    %gt3A_428 = arith.cmpi sgt, %arg1, %gt3A_427 : i32
    %select_n3A_429 = arith.select %gt3A_428, %get3A_425, %broadcast_in_dim3A_1 : vector<16xi32>
    %add3A_430 = arith.addi %add3A_421, %select_n3A_429 : vector<16xi32>
    %get3A_431 = arith.constant 5 : i32
    %get3A_432 = arith.index_cast %get3A_431 : i32 to index
    %get3A_433 = arith.constant 32 : index
    %get3A_434 = tpu.vector_load %arg10[%get3A_432, %get3A_433] {strides = array<i32>} : memref<16x64xi32, #tpu.memory_space<vmem>>, vector<16xi32>,
    %add3A_435 = arith.addi %add3A_426, %get3A_434 : vector<16xi32>
    %gt3A_436 = arith.constant 5 : i32
    %gt3A_437 = arith.cmpi sgt, %arg1, %gt3A_436 : i32
    %select_n3A_438 = arith.select %gt3A_437, %get3A_434, %broadcast_in_dim3A_1 : vector<16xi32>
    %add3A_439 = arith.addi %add3A_430, %select_n3A_438 : vector<16xi32>
    %get3A_440 = arith.constant 6 : i32
    %get3A_441 = arith.index_cast %get3A_440 : i32 to index
    %get3A_442 = arith.constant 32 : index
    %get3A_443 = tpu.vector_load %arg10[%get3A_441, %get3A_442] {strides = array<i32>} : memref<16x64xi32, #tpu.memory_space<vmem>>, vector<16xi32>,
    %add3A_444 = arith.addi %add3A_435, %get3A_443 : vector<16xi32>
    %gt3A_445 = arith.constant 6 : i32
    %gt3A_446 = arith.cmpi sgt, %arg1, %gt3A_445 : i32
    %select_n3A_447 = arith.select %gt3A_446, %get3A_443, %broadcast_in_dim3A_1 : vector<16xi32>
    %add3A_448 = arith.addi %add3A_439, %select_n3A_447 : vector<16xi32>
    %get3A_449 = arith.constant 7 : i32
    %get3A_450 = arith.index_cast %get3A_449 : i32 to index
    %get3A_451 = arith.constant 32 : index
    %get3A_452 = tpu.vector_load %arg10[%get3A_450, %get3A_451] {strides = array<i32>} : memref<16x64xi32, #tpu.memory_space<vmem>>, vector<16xi32>,
    %add3A_453 = arith.addi %add3A_444, %get3A_452 : vector<16xi32>
    %gt3A_454 = arith.constant 7 : i32
    %gt3A_455 = arith.cmpi sgt, %arg1, %gt3A_454 : i32
    %select_n3A_456 = arith.select %gt3A_455, %get3A_452, %broadcast_in_dim3A_1 : vector<16xi32>
    %add3A_457 = arith.addi %add3A_448, %select_n3A_456 : vector<16xi32>
    %get3A_458 = arith.constant 8 : i32
    %get3A_459 = arith.index_cast %get3A_458 : i32 to index
    %get3A_460 = arith.constant 32 : index
    %get3A_461 = tpu.vector_load %arg10[%get3A_459, %get3A_460] {strides = array<i32>} : memref<16x64xi32, #tpu.memory_space<vmem>>, vector<16xi32>,
    %add3A_462 = arith.addi %add3A_453, %get3A_461 : vector<16xi32>
    %gt3A_463 = arith.constant 8 : i32
    %gt3A_464 = arith.cmpi sgt, %arg1, %gt3A_463 : i32
    %select_n3A_465 = arith.select %gt3A_464, %get3A_461, %broadcast_in_dim3A_1 : vector<16xi32>
    %add3A_466 = arith.addi %add3A_457, %select_n3A_465 : vector<16xi32>
    %get3A_467 = arith.constant 9 : i32
    %get3A_468 = arith.index_cast %get3A_467 : i32 to index
    %get3A_469 = arith.constant 32 : index
    %get3A_470 = tpu.vector_load %arg10[%get3A_468, %get3A_469] {strides = array<i32>} : memref<16x64xi32, #tpu.memory_space<vmem>>, vector<16xi32>,
    %add3A_471 = arith.addi %add3A_462, %get3A_470 : vector<16xi32>
    %gt3A_472 = arith.constant 9 : i32
    %gt3A_473 = arith.cmpi sgt, %arg1, %gt3A_472 : i32
    %select_n3A_474 = arith.select %gt3A_473, %get3A_470, %broadcast_in_dim3A_1 : vector<16xi32>
    %add3A_475 = arith.addi %add3A_466, %select_n3A_474 : vector<16xi32>
    %get3A_476 = arith.constant 10 : i32
    %get3A_477 = arith.index_cast %get3A_476 : i32 to index
    %get3A_478 = arith.constant 32 : index
    %get3A_479 = tpu.vector_load %arg10[%get3A_477, %get3A_478] {strides = array<i32>} : memref<16x64xi32, #tpu.memory_space<vmem>>, vector<16xi32>,
    %add3A_480 = arith.addi %add3A_471, %get3A_479 : vector<16xi32>
    %gt3A_481 = arith.constant 10 : i32
    %gt3A_482 = arith.cmpi sgt, %arg1, %gt3A_481 : i32
    %select_n3A_483 = arith.select %gt3A_482, %get3A_479, %broadcast_in_dim3A_1 : vector<16xi32>
    %add3A_484 = arith.addi %add3A_475, %select_n3A_483 : vector<16xi32>
    %get3A_485 = arith.constant 11 : i32
    %get3A_486 = arith.index_cast %get3A_485 : i32 to index
    %get3A_487 = arith.constant 32 : index
    %get3A_488 = tpu.vector_load %arg10[%get3A_486, %get3A_487] {strides = array<i32>} : memref<16x64xi32, #tpu.memory_space<vmem>>, vector<16xi32>,
    %add3A_489 = arith.addi %add3A_480, %get3A_488 : vector<16xi32>
    %gt3A_490 = arith.constant 11 : i32
    %gt3A_491 = arith.cmpi sgt, %arg1, %gt3A_490 : i32
    %select_n3A_492 = arith.select %gt3A_491, %get3A_488, %broadcast_in_dim3A_1 : vector<16xi32>
    %add3A_493 = arith.addi %add3A_484, %select_n3A_492 : vector<16xi32>
    %get3A_494 = arith.constant 12 : i32
    %get3A_495 = arith.index_cast %get3A_494 : i32 to index
    %get3A_496 = arith.constant 32 : index
    %get3A_497 = tpu.vector_load %arg10[%get3A_495, %get3A_496] {strides = array<i32>} : memref<16x64xi32, #tpu.memory_space<vmem>>, vector<16xi32>,
    %add3A_498 = arith.addi %add3A_489, %get3A_497 : vector<16xi32>
    %gt3A_499 = arith.constant 12 : i32
    %gt3A_500 = arith.cmpi sgt, %arg1, %gt3A_499 : i32
    %select_n3A_501 = arith.select %gt3A_500, %get3A_497, %broadcast_in_dim3A_1 : vector<16xi32>
    %add3A_502 = arith.addi %add3A_493, %select_n3A_501 : vector<16xi32>
    %get3A_503 = arith.constant 13 : i32
    %get3A_504 = arith.index_cast %get3A_503 : i32 to index
    %get3A_505 = arith.constant 32 : index
    %get3A_506 = tpu.vector_load %arg10[%get3A_504, %get3A_505] {strides = array<i32>} : memref<16x64xi32, #tpu.memory_space<vmem>>, vector<16xi32>,
    %add3A_507 = arith.addi %add3A_498, %get3A_506 : vector<16xi32>
    %gt3A_508 = arith.constant 13 : i32
    %gt3A_509 = arith.cmpi sgt, %arg1, %gt3A_508 : i32
    %select_n3A_510 = arith.select %gt3A_509, %get3A_506, %broadcast_in_dim3A_1 : vector<16xi32>
    %add3A_511 = arith.addi %add3A_502, %select_n3A_510 : vector<16xi32>
    %get3A_512 = arith.constant 14 : i32
    %get3A_513 = arith.index_cast %get3A_512 : i32 to index
    %get3A_514 = arith.constant 32 : index
    %get3A_515 = tpu.vector_load %arg10[%get3A_513, %get3A_514] {strides = array<i32>} : memref<16x64xi32, #tpu.memory_space<vmem>>, vector<16xi32>,
    %add3A_516 = arith.addi %add3A_507, %get3A_515 : vector<16xi32>
    %gt3A_517 = arith.constant 14 : i32
    %gt3A_518 = arith.cmpi sgt, %arg1, %gt3A_517 : i32
    %select_n3A_519 = arith.select %gt3A_518, %get3A_515, %broadcast_in_dim3A_1 : vector<16xi32>
    %add3A_520 = arith.addi %add3A_511, %select_n3A_519 : vector<16xi32>
    %get3A_521 = arith.constant 15 : i32
    %get3A_522 = arith.index_cast %get3A_521 : i32 to index
    %get3A_523 = arith.constant 32 : index
    %get3A_524 = tpu.vector_load %arg10[%get3A_522, %get3A_523] {strides = array<i32>} : memref<16x64xi32, #tpu.memory_space<vmem>>, vector<16xi32>,
    %add3A_525 = arith.addi %add3A_516, %get3A_524 : vector<16xi32>
    %gt3A_526 = arith.constant 15 : i32
    %gt3A_527 = arith.cmpi sgt, %arg1, %gt3A_526 : i32
    %select_n3A_528 = arith.select %gt3A_527, %get3A_524, %broadcast_in_dim3A_1 : vector<16xi32>
    %add3A_529 = arith.addi %add3A_520, %select_n3A_528 : vector<16xi32>
    %broadcast_in_dim3A_530 = arith.constant true
    %broadcast_in_dim3A_531 = vector.broadcast %broadcast_in_dim3A_530 : i1 to vector<16xi1>
    %masked_cumsum3A_532 = tpu.scan <sum>, %add3A_525 masked %broadcast_in_dim3A_531 : vector<16xi32>, vector<16xi1> -> vector<16xi32>
    %sub3A_533 = arith.subi %masked_cumsum3A_532, %add3A_525 : vector<16xi32>
    %add3A_534 = vector.broadcast %add3A_385 : i32 to vector<16xi32>
    %add3A_535 = arith.addi %sub3A_533, %add3A_534 : vector<16xi32>
    %add3A_536 = arith.addi %add3A_535, %add3A_529 : vector<16xi32>
    %swap3A_537 = arith.constant 32 : index
    %swap3A_538 = tpu.vector_load %arg11[%swap3A_537] {strides = array<i32>} : memref<64xi32, #tpu.memory_space<vmem>>, vector<16xi32>,
    tpu.vector_store %arg11[%swap3A_537], %add3A_536 {strides = array<i32>} : memref<64xi32, #tpu.memory_space<vmem>>, vector<16xi32>,
    %swap3A_539 = arith.constant 32 : index
    %swap3A_540 = tpu.vector_load %arg12[%swap3A_539] {strides = array<i32>} : memref<80xi32, #tpu.memory_space<vmem>>, vector<16xi32>,
    tpu.vector_store %arg12[%swap3A_539], %add3A_535 {strides = array<i32>} : memref<80xi32, #tpu.memory_space<vmem>>, vector<16xi32>,
    %reduce_sum3A_541 = arith.constant true
    %reduce_sum3A_542 = vector.broadcast %reduce_sum3A_541 : i1 to vector<16xi1>
    %reduce_sum3A_543 = tpu.scan <sum>, %add3A_525 masked %reduce_sum3A_542 : vector<16xi32>, vector<16xi1> -> vector<16xi32>
    %reduce_sum3A_544 = vector.extract %reduce_sum3A_543[15] : i32 from vector<16xi32>
    %add3A_545 = arith.addi %add3A_385, %reduce_sum3A_544 : i32
    %get3A_546 = arith.constant 0 : i32
    %get3A_547 = arith.index_cast %get3A_546 : i32 to index
    %get3A_548 = arith.constant 48 : index
    %get3A_549 = tpu.vector_load %arg10[%get3A_547, %get3A_548] {strides = array<i32>} : memref<16x64xi32, #tpu.memory_space<vmem>>, vector<16xi32>,
    %add3A_550 = arith.addi %broadcast_in_dim3A_1, %get3A_549 : vector<16xi32>
    %gt3A_551 = arith.constant 0 : i32
    %gt3A_552 = arith.cmpi sgt, %arg1, %gt3A_551 : i32
    %select_n3A_553 = arith.select %gt3A_552, %get3A_549, %broadcast_in_dim3A_1 : vector<16xi32>
    %add3A_554 = arith.addi %broadcast_in_dim3A_1, %select_n3A_553 : vector<16xi32>
    %get3A_555 = arith.constant 1 : i32
    %get3A_556 = arith.index_cast %get3A_555 : i32 to index
    %get3A_557 = arith.constant 48 : index
    %get3A_558 = tpu.vector_load %arg10[%get3A_556, %get3A_557] {strides = array<i32>} : memref<16x64xi32, #tpu.memory_space<vmem>>, vector<16xi32>,
    %add3A_559 = arith.addi %add3A_550, %get3A_558 : vector<16xi32>
    %gt3A_560 = arith.constant 1 : i32
    %gt3A_561 = arith.cmpi sgt, %arg1, %gt3A_560 : i32
    %select_n3A_562 = arith.select %gt3A_561, %get3A_558, %broadcast_in_dim3A_1 : vector<16xi32>
    %add3A_563 = arith.addi %add3A_554, %select_n3A_562 : vector<16xi32>
    %get3A_564 = arith.constant 2 : i32
    %get3A_565 = arith.index_cast %get3A_564 : i32 to index
    %get3A_566 = arith.constant 48 : index
    %get3A_567 = tpu.vector_load %arg10[%get3A_565, %get3A_566] {strides = array<i32>} : memref<16x64xi32, #tpu.memory_space<vmem>>, vector<16xi32>,
    %add3A_568 = arith.addi %add3A_559, %get3A_567 : vector<16xi32>
    %gt3A_569 = arith.constant 2 : i32
    %gt3A_570 = arith.cmpi sgt, %arg1, %gt3A_569 : i32
    %select_n3A_571 = arith.select %gt3A_570, %get3A_567, %broadcast_in_dim3A_1 : vector<16xi32>
    %add3A_572 = arith.addi %add3A_563, %select_n3A_571 : vector<16xi32>
    %get3A_573 = arith.constant 3 : i32
    %get3A_574 = arith.index_cast %get3A_573 : i32 to index
    %get3A_575 = arith.constant 48 : index
    %get3A_576 = tpu.vector_load %arg10[%get3A_574, %get3A_575] {strides = array<i32>} : memref<16x64xi32, #tpu.memory_space<vmem>>, vector<16xi32>,
    %add3A_577 = arith.addi %add3A_568, %get3A_576 : vector<16xi32>
    %gt3A_578 = arith.constant 3 : i32
    %gt3A_579 = arith.cmpi sgt, %arg1, %gt3A_578 : i32
    %select_n3A_580 = arith.select %gt3A_579, %get3A_576, %broadcast_in_dim3A_1 : vector<16xi32>
    %add3A_581 = arith.addi %add3A_572, %select_n3A_580 : vector<16xi32>
    %get3A_582 = arith.constant 4 : i32
    %get3A_583 = arith.index_cast %get3A_582 : i32 to index
    %get3A_584 = arith.constant 48 : index
    %get3A_585 = tpu.vector_load %arg10[%get3A_583, %get3A_584] {strides = array<i32>} : memref<16x64xi32, #tpu.memory_space<vmem>>, vector<16xi32>,
    %add3A_586 = arith.addi %add3A_577, %get3A_585 : vector<16xi32>
    %gt3A_587 = arith.constant 4 : i32
    %gt3A_588 = arith.cmpi sgt, %arg1, %gt3A_587 : i32
    %select_n3A_589 = arith.select %gt3A_588, %get3A_585, %broadcast_in_dim3A_1 : vector<16xi32>
    %add3A_590 = arith.addi %add3A_581, %select_n3A_589 : vector<16xi32>
    %get3A_591 = arith.constant 5 : i32
    %get3A_592 = arith.index_cast %get3A_591 : i32 to index
    %get3A_593 = arith.constant 48 : index
    %get3A_594 = tpu.vector_load %arg10[%get3A_592, %get3A_593] {strides = array<i32>} : memref<16x64xi32, #tpu.memory_space<vmem>>, vector<16xi32>,
    %add3A_595 = arith.addi %add3A_586, %get3A_594 : vector<16xi32>
    %gt3A_596 = arith.constant 5 : i32
    %gt3A_597 = arith.cmpi sgt, %arg1, %gt3A_596 : i32
    %select_n3A_598 = arith.select %gt3A_597, %get3A_594, %broadcast_in_dim3A_1 : vector<16xi32>
    %add3A_599 = arith.addi %add3A_590, %select_n3A_598 : vector<16xi32>
    %get3A_600 = arith.constant 6 : i32
    %get3A_601 = arith.index_cast %get3A_600 : i32 to index
    %get3A_602 = arith.constant 48 : index
    %get3A_603 = tpu.vector_load %arg10[%get3A_601, %get3A_602] {strides = array<i32>} : memref<16x64xi32, #tpu.memory_space<vmem>>, vector<16xi32>,
    %add3A_604 = arith.addi %add3A_595, %get3A_603 : vector<16xi32>
    %gt3A_605 = arith.constant 6 : i32
    %gt3A_606 = arith.cmpi sgt, %arg1, %gt3A_605 : i32
    %select_n3A_607 = arith.select %gt3A_606, %get3A_603, %broadcast_in_dim3A_1 : vector<16xi32>
    %add3A_608 = arith.addi %add3A_599, %select_n3A_607 : vector<16xi32>
    %get3A_609 = arith.constant 7 : i32
    %get3A_610 = arith.index_cast %get3A_609 : i32 to index
    %get3A_611 = arith.constant 48 : index
    %get3A_612 = tpu.vector_load %arg10[%get3A_610, %get3A_611] {strides = array<i32>} : memref<16x64xi32, #tpu.memory_space<vmem>>, vector<16xi32>,
    %add3A_613 = arith.addi %add3A_604, %get3A_612 : vector<16xi32>
    %gt3A_614 = arith.constant 7 : i32
    %gt3A_615 = arith.cmpi sgt, %arg1, %gt3A_614 : i32
    %select_n3A_616 = arith.select %gt3A_615, %get3A_612, %broadcast_in_dim3A_1 : vector<16xi32>
    %add3A_617 = arith.addi %add3A_608, %select_n3A_616 : vector<16xi32>
    %get3A_618 = arith.constant 8 : i32
    %get3A_619 = arith.index_cast %get3A_618 : i32 to index
    %get3A_620 = arith.constant 48 : index
    %get3A_621 = tpu.vector_load %arg10[%get3A_619, %get3A_620] {strides = array<i32>} : memref<16x64xi32, #tpu.memory_space<vmem>>, vector<16xi32>,
    %add3A_622 = arith.addi %add3A_613, %get3A_621 : vector<16xi32>
    %gt3A_623 = arith.constant 8 : i32
    %gt3A_624 = arith.cmpi sgt, %arg1, %gt3A_623 : i32
    %select_n3A_625 = arith.select %gt3A_624, %get3A_621, %broadcast_in_dim3A_1 : vector<16xi32>
    %add3A_626 = arith.addi %add3A_617, %select_n3A_625 : vector<16xi32>
    %get3A_627 = arith.constant 9 : i32
    %get3A_628 = arith.index_cast %get3A_627 : i32 to index
    %get3A_629 = arith.constant 48 : index
    %get3A_630 = tpu.vector_load %arg10[%get3A_628, %get3A_629] {strides = array<i32>} : memref<16x64xi32, #tpu.memory_space<vmem>>, vector<16xi32>,
    %add3A_631 = arith.addi %add3A_622, %get3A_630 : vector<16xi32>
    %gt3A_632 = arith.constant 9 : i32
    %gt3A_633 = arith.cmpi sgt, %arg1, %gt3A_632 : i32
    %select_n3A_634 = arith.select %gt3A_633, %get3A_630, %broadcast_in_dim3A_1 : vector<16xi32>
    %add3A_635 = arith.addi %add3A_626, %select_n3A_634 : vector<16xi32>
    %get3A_636 = arith.constant 10 : i32
    %get3A_637 = arith.index_cast %get3A_636 : i32 to index
    %get3A_638 = arith.constant 48 : index
    %get3A_639 = tpu.vector_load %arg10[%get3A_637, %get3A_638] {strides = array<i32>} : memref<16x64xi32, #tpu.memory_space<vmem>>, vector<16xi32>,
    %add3A_640 = arith.addi %add3A_631, %get3A_639 : vector<16xi32>
    %gt3A_641 = arith.constant 10 : i32
    %gt3A_642 = arith.cmpi sgt, %arg1, %gt3A_641 : i32
    %select_n3A_643 = arith.select %gt3A_642, %get3A_639, %broadcast_in_dim3A_1 : vector<16xi32>
    %add3A_644 = arith.addi %add3A_635, %select_n3A_643 : vector<16xi32>
    %get3A_645 = arith.constant 11 : i32
    %get3A_646 = arith.index_cast %get3A_645 : i32 to index
    %get3A_647 = arith.constant 48 : index
    %get3A_648 = tpu.vector_load %arg10[%get3A_646, %get3A_647] {strides = array<i32>} : memref<16x64xi32, #tpu.memory_space<vmem>>, vector<16xi32>,
    %add3A_649 = arith.addi %add3A_640, %get3A_648 : vector<16xi32>
    %gt3A_650 = arith.constant 11 : i32
    %gt3A_651 = arith.cmpi sgt, %arg1, %gt3A_650 : i32
    %select_n3A_652 = arith.select %gt3A_651, %get3A_648, %broadcast_in_dim3A_1 : vector<16xi32>
    %add3A_653 = arith.addi %add3A_644, %select_n3A_652 : vector<16xi32>
    %get3A_654 = arith.constant 12 : i32
    %get3A_655 = arith.index_cast %get3A_654 : i32 to index
    %get3A_656 = arith.constant 48 : index
    %get3A_657 = tpu.vector_load %arg10[%get3A_655, %get3A_656] {strides = array<i32>} : memref<16x64xi32, #tpu.memory_space<vmem>>, vector<16xi32>,
    %add3A_658 = arith.addi %add3A_649, %get3A_657 : vector<16xi32>
    %gt3A_659 = arith.constant 12 : i32
    %gt3A_660 = arith.cmpi sgt, %arg1, %gt3A_659 : i32
    %select_n3A_661 = arith.select %gt3A_660, %get3A_657, %broadcast_in_dim3A_1 : vector<16xi32>
    %add3A_662 = arith.addi %add3A_653, %select_n3A_661 : vector<16xi32>
    %get3A_663 = arith.constant 13 : i32
    %get3A_664 = arith.index_cast %get3A_663 : i32 to index
    %get3A_665 = arith.constant 48 : index
    %get3A_666 = tpu.vector_load %arg10[%get3A_664, %get3A_665] {strides = array<i32>} : memref<16x64xi32, #tpu.memory_space<vmem>>, vector<16xi32>,
    %add3A_667 = arith.addi %add3A_658, %get3A_666 : vector<16xi32>
    %gt3A_668 = arith.constant 13 : i32
    %gt3A_669 = arith.cmpi sgt, %arg1, %gt3A_668 : i32
    %select_n3A_670 = arith.select %gt3A_669, %get3A_666, %broadcast_in_dim3A_1 : vector<16xi32>
    %add3A_671 = arith.addi %add3A_662, %select_n3A_670 : vector<16xi32>
    %get3A_672 = arith.constant 14 : i32
    %get3A_673 = arith.index_cast %get3A_672 : i32 to index
    %get3A_674 = arith.constant 48 : index
    %get3A_675 = tpu.vector_load %arg10[%get3A_673, %get3A_674] {strides = array<i32>} : memref<16x64xi32, #tpu.memory_space<vmem>>, vector<16xi32>,
    %add3A_676 = arith.addi %add3A_667, %get3A_675 : vector<16xi32>
    %gt3A_677 = arith.constant 14 : i32
    %gt3A_678 = arith.cmpi sgt, %arg1, %gt3A_677 : i32
    %select_n3A_679 = arith.select %gt3A_678, %get3A_675, %broadcast_in_dim3A_1 : vector<16xi32>
    %add3A_680 = arith.addi %add3A_671, %select_n3A_679 : vector<16xi32>
    %get3A_681 = arith.constant 15 : i32
    %get3A_682 = arith.index_cast %get3A_681 : i32 to index
    %get3A_683 = arith.constant 48 : index
    %get3A_684 = tpu.vector_load %arg10[%get3A_682, %get3A_683] {strides = array<i32>} : memref<16x64xi32, #tpu.memory_space<vmem>>, vector<16xi32>,
    %add3A_685 = arith.addi %add3A_676, %get3A_684 : vector<16xi32>
    %gt3A_686 = arith.constant 15 : i32
    %gt3A_687 = arith.cmpi sgt, %arg1, %gt3A_686 : i32
    %select_n3A_688 = arith.select %gt3A_687, %get3A_684, %broadcast_in_dim3A_1 : vector<16xi32>
    %add3A_689 = arith.addi %add3A_680, %select_n3A_688 : vector<16xi32>
    %broadcast_in_dim3A_690 = arith.constant true
    %broadcast_in_dim3A_691 = vector.broadcast %broadcast_in_dim3A_690 : i1 to vector<16xi1>
    %masked_cumsum3A_692 = tpu.scan <sum>, %add3A_685 masked %broadcast_in_dim3A_691 : vector<16xi32>, vector<16xi1> -> vector<16xi32>
    %sub3A_693 = arith.subi %masked_cumsum3A_692, %add3A_685 : vector<16xi32>
    %add3A_694 = vector.broadcast %add3A_545 : i32 to vector<16xi32>
    %add3A_695 = arith.addi %sub3A_693, %add3A_694 : vector<16xi32>
    %add3A_696 = arith.addi %add3A_695, %add3A_689 : vector<16xi32>
    %swap3A_697 = arith.constant 48 : index
    %swap3A_698 = tpu.vector_load %arg11[%swap3A_697] {strides = array<i32>} : memref<64xi32, #tpu.memory_space<vmem>>, vector<16xi32>,
    tpu.vector_store %arg11[%swap3A_697], %add3A_696 {strides = array<i32>} : memref<64xi32, #tpu.memory_space<vmem>>, vector<16xi32>,
    %swap3A_699 = arith.constant 48 : index
    %swap3A_700 = tpu.vector_load %arg12[%swap3A_699] {strides = array<i32>} : memref<80xi32, #tpu.memory_space<vmem>>, vector<16xi32>,
    tpu.vector_store %arg12[%swap3A_699], %add3A_695 {strides = array<i32>} : memref<80xi32, #tpu.memory_space<vmem>>, vector<16xi32>,
    %reduce_sum3A_701 = arith.constant true
    %reduce_sum3A_702 = vector.broadcast %reduce_sum3A_701 : i1 to vector<16xi1>
    %reduce_sum3A_703 = tpu.scan <sum>, %add3A_685 masked %reduce_sum3A_702 : vector<16xi32>, vector<16xi1> -> vector<16xi32>
    %reduce_sum3A_704 = vector.extract %reduce_sum3A_703[15] : i32 from vector<16xi32>
    %add3A_705 = arith.addi %add3A_545, %reduce_sum3A_704 : i32
    %iota3A = tpu.iota {dimensions = array<i32: 0>} : vector<16xi32>
    %eq3A = arith.constant 0 : i32
    %eq3A_706 = vector.broadcast %eq3A : i32 to vector<16xi32>
    %eq3A_707 = arith.cmpi eq, %iota3A, %eq3A_706 : vector<16xi32>
    %jit3A = arith.constant 2048 : i32
    %jit3A_708 = arith.constant 0 : i32
    %broadcast_in_dim3A_709 = vector.broadcast %jit3A : i32 to vector<16xi32>
    %broadcast_in_dim3A_710 = vector.broadcast %jit3A_708 : i32 to vector<16xi32>
    %select_n3A_711 = arith.select %eq3A_707, %broadcast_in_dim3A_709, %broadcast_in_dim3A_710 : vector<16xi1>, vector<16xi32>
    %swap3A_712 = arith.constant 64 : index
    %swap3A_713 = tpu.vector_load %arg12[%swap3A_712] {strides = array<i32>} : memref<80xi32, #tpu.memory_space<vmem>>, vector<16xi32>,
    tpu.vector_store %arg12[%swap3A_712], %select_n3A_711 {strides = array<i32>} : memref<80xi32, #tpu.memory_space<vmem>>, vector<16xi32>,
    %swap3A_714 = arith.constant 0 : index
    %swap3A_715 = tpu.vector_load %arg9[%swap3A_714] {strides = array<i32>} : memref<64xi32, #tpu.memory_space<vmem>>, vector<16xi32>,
    tpu.vector_store %arg9[%swap3A_714], %broadcast_in_dim3A_1 {strides = array<i32>} : memref<64xi32, #tpu.memory_space<vmem>>, vector<16xi32>,
    %swap3A_716 = arith.constant 16 : index
    %swap3A_717 = tpu.vector_load %arg9[%swap3A_716] {strides = array<i32>} : memref<64xi32, #tpu.memory_space<vmem>>, vector<16xi32>,
    tpu.vector_store %arg9[%swap3A_716], %broadcast_in_dim3A_1 {strides = array<i32>} : memref<64xi32, #tpu.memory_space<vmem>>, vector<16xi32>,
    %swap3A_718 = arith.constant 32 : index
    %swap3A_719 = tpu.vector_load %arg9[%swap3A_718] {strides = array<i32>} : memref<64xi32, #tpu.memory_space<vmem>>, vector<16xi32>,
    tpu.vector_store %arg9[%swap3A_718], %broadcast_in_dim3A_1 {strides = array<i32>} : memref<64xi32, #tpu.memory_space<vmem>>, vector<16xi32>,
    %swap3A_720 = arith.constant 48 : index
    %swap3A_721 = tpu.vector_load %arg9[%swap3A_720] {strides = array<i32>} : memref<64xi32, #tpu.memory_space<vmem>>, vector<16xi32>,
    tpu.vector_store %arg9[%swap3A_720], %broadcast_in_dim3A_1 {strides = array<i32>} : memref<64xi32, #tpu.memory_space<vmem>>, vector<16xi32>,
    %get3A_722 = arith.constant 0 : index
    %get3A_723 = tpu.vector_load %arg8[%get3A_722] {strides = array<i32>} : memref<128xi32, #tpu.memory_space<vmem>>, vector<16xi32>,
    %broadcast_in_dim3A_724 = arith.constant true
    %broadcast_in_dim3A_725 = vector.broadcast %broadcast_in_dim3A_724 : i1 to vector<16xi1>
    %unique3A_726, %unique3A_727 = tpu.scan_count mask(%broadcast_in_dim3A_725 : vector<16xi1>) value(%get3A_723 : vector<16xi32>) : vector<16xi1>, vector<16xi32>
    %gather3A_728 = tpu.vector_load_idx %arg9[%get3A_723] : memref<64xi32, #tpu.memory_space<vmem>>[vector<16xi32>], vector<16xi32>,
    %gather3A_729 = tpu.vector_load_idx %arg11[%get3A_723] : memref<64xi32, #tpu.memory_space<vmem>>[vector<16xi32>], vector<16xi32>,
    %add3A_730 = arith.addi %gather3A_729, %gather3A_728 : vector<16xi32>
    %add3A_731 = arith.addi %add3A_730, %unique3A_727 : vector<16xi32>
    %sub3A_732 = arith.constant 1 : i32
    %sub3A_733 = vector.broadcast %sub3A_732 : i32 to vector<16xi32>
    %sub3A_734 = arith.subi %add3A_731, %sub3A_733 : vector<16xi32>
    %swap3A_735 = arith.constant 0 : i32
    %swap3A_736 = arith.index_cast %swap3A_735 : i32 to index
    %swap3A_737 = arith.constant 0 : index
    %swap3A_738 = tpu.vector_load %arg13[%swap3A_736, %swap3A_737] {strides = array<i32>} : memref<1x128xi32, #tpu.memory_space<vmem>>, vector<16xi32>,
    tpu.vector_store %arg13[%swap3A_736, %swap3A_737], %sub3A_734 {strides = array<i32>} : memref<1x128xi32, #tpu.memory_space<vmem>>, vector<16xi32>,
    %add3A_739 = arith.constant 0 : i32
    %add3A_740 = arith.addi %mul3A_0, %add3A_739 : i32
    %add3A_741 = vector.broadcast %add3A_740 : i32 to vector<16xi32>
    %add3A_742 = arith.addi %add3A_741, %iota3A : vector<16xi32>
    %swap3A_743 = arith.constant 0 : index
    %swap3A_744 = tpu.vector_load %arg14[%swap3A_743] {strides = array<i32>} : memref<128xi32, #tpu.memory_space<vmem>>, vector<16xi32>,
    tpu.vector_store %arg14[%swap3A_743], %add3A_742 {strides = array<i32>} : memref<128xi32, #tpu.memory_space<vmem>>, vector<16xi32>,
    %add3A_745 = arith.addi %gather3A_728, %unique3A_727 : vector<16xi32>
    tpu.vector_store_idx %arg9[%get3A_723], %add3A_745 masked %unique3A_726 : memref<64xi32, #tpu.memory_space<vmem>>[vector<16xi32>], vector<16xi32>, vector<16xi1>
    %get3A_746 = arith.constant 16 : index
    %get3A_747 = tpu.vector_load %arg8[%get3A_746] {strides = array<i32>} : memref<128xi32, #tpu.memory_space<vmem>>, vector<16xi32>,
    %broadcast_in_dim3A_748 = arith.constant true
    %broadcast_in_dim3A_749 = vector.broadcast %broadcast_in_dim3A_748 : i1 to vector<16xi1>
    %unique3A_750, %unique3A_751 = tpu.scan_count mask(%broadcast_in_dim3A_749 : vector<16xi1>) value(%get3A_747 : vector<16xi32>) : vector<16xi1>, vector<16xi32>
    %gather3A_752 = tpu.vector_load_idx %arg9[%get3A_747] : memref<64xi32, #tpu.memory_space<vmem>>[vector<16xi32>], vector<16xi32>,
    %gather3A_753 = tpu.vector_load_idx %arg11[%get3A_747] : memref<64xi32, #tpu.memory_space<vmem>>[vector<16xi32>], vector<16xi32>,
    %add3A_754 = arith.addi %gather3A_753, %gather3A_752 : vector<16xi32>
    %add3A_755 = arith.addi %add3A_754, %unique3A_751 : vector<16xi32>
    %sub3A_756 = arith.constant 1 : i32
    %sub3A_757 = vector.broadcast %sub3A_756 : i32 to vector<16xi32>
    %sub3A_758 = arith.subi %add3A_755, %sub3A_757 : vector<16xi32>
    %swap3A_759 = arith.constant 0 : i32
    %swap3A_760 = arith.index_cast %swap3A_759 : i32 to index
    %swap3A_761 = arith.constant 16 : index
    %swap3A_762 = tpu.vector_load %arg13[%swap3A_760, %swap3A_761] {strides = array<i32>} : memref<1x128xi32, #tpu.memory_space<vmem>>, vector<16xi32>,
    tpu.vector_store %arg13[%swap3A_760, %swap3A_761], %sub3A_758 {strides = array<i32>} : memref<1x128xi32, #tpu.memory_space<vmem>>, vector<16xi32>,
    %add3A_763 = arith.constant 16 : i32
    %add3A_764 = arith.addi %mul3A_0, %add3A_763 : i32
    %add3A_765 = vector.broadcast %add3A_764 : i32 to vector<16xi32>
    %add3A_766 = arith.addi %add3A_765, %iota3A : vector<16xi32>
    %swap3A_767 = arith.constant 16 : index
    %swap3A_768 = tpu.vector_load %arg14[%swap3A_767] {strides = array<i32>} : memref<128xi32, #tpu.memory_space<vmem>>, vector<16xi32>,
    tpu.vector_store %arg14[%swap3A_767], %add3A_766 {strides = array<i32>} : memref<128xi32, #tpu.memory_space<vmem>>, vector<16xi32>,
    %add3A_769 = arith.addi %gather3A_752, %unique3A_751 : vector<16xi32>
    tpu.vector_store_idx %arg9[%get3A_747], %add3A_769 masked %unique3A_750 : memref<64xi32, #tpu.memory_space<vmem>>[vector<16xi32>], vector<16xi32>, vector<16xi1>
    %get3A_770 = arith.constant 32 : index
    %get3A_771 = tpu.vector_load %arg8[%get3A_770] {strides = array<i32>} : memref<128xi32, #tpu.memory_space<vmem>>, vector<16xi32>,
    %broadcast_in_dim3A_772 = arith.constant true
    %broadcast_in_dim3A_773 = vector.broadcast %broadcast_in_dim3A_772 : i1 to vector<16xi1>
    %unique3A_774, %unique3A_775 = tpu.scan_count mask(%broadcast_in_dim3A_773 : vector<16xi1>) value(%get3A_771 : vector<16xi32>) : vector<16xi1>, vector<16xi32>
    %gather3A_776 = tpu.vector_load_idx %arg9[%get3A_771] : memref<64xi32, #tpu.memory_space<vmem>>[vector<16xi32>], vector<16xi32>,
    %gather3A_777 = tpu.vector_load_idx %arg11[%get3A_771] : memref<64xi32, #tpu.memory_space<vmem>>[vector<16xi32>], vector<16xi32>,
    %add3A_778 = arith.addi %gather3A_777, %gather3A_776 : vector<16xi32>
    %add3A_779 = arith.addi %add3A_778, %unique3A_775 : vector<16xi32>
    %sub3A_780 = arith.constant 1 : i32
    %sub3A_781 = vector.broadcast %sub3A_780 : i32 to vector<16xi32>
    %sub3A_782 = arith.subi %add3A_779, %sub3A_781 : vector<16xi32>
    %swap3A_783 = arith.constant 0 : i32
    %swap3A_784 = arith.index_cast %swap3A_783 : i32 to index
    %swap3A_785 = arith.constant 32 : index
    %swap3A_786 = tpu.vector_load %arg13[%swap3A_784, %swap3A_785] {strides = array<i32>} : memref<1x128xi32, #tpu.memory_space<vmem>>, vector<16xi32>,
    tpu.vector_store %arg13[%swap3A_784, %swap3A_785], %sub3A_782 {strides = array<i32>} : memref<1x128xi32, #tpu.memory_space<vmem>>, vector<16xi32>,
    %add3A_787 = arith.constant 32 : i32
    %add3A_788 = arith.addi %mul3A_0, %add3A_787 : i32
    %add3A_789 = vector.broadcast %add3A_788 : i32 to vector<16xi32>
    %add3A_790 = arith.addi %add3A_789, %iota3A : vector<16xi32>
    %swap3A_791 = arith.constant 32 : index
    %swap3A_792 = tpu.vector_load %arg14[%swap3A_791] {strides = array<i32>} : memref<128xi32, #tpu.memory_space<vmem>>, vector<16xi32>,
    tpu.vector_store %arg14[%swap3A_791], %add3A_790 {strides = array<i32>} : memref<128xi32, #tpu.memory_space<vmem>>, vector<16xi32>,
    %add3A_793 = arith.addi %gather3A_776, %unique3A_775 : vector<16xi32>
    tpu.vector_store_idx %arg9[%get3A_771], %add3A_793 masked %unique3A_774 : memref<64xi32, #tpu.memory_space<vmem>>[vector<16xi32>], vector<16xi32>, vector<16xi1>
    %get3A_794 = arith.constant 48 : index
    %get3A_795 = tpu.vector_load %arg8[%get3A_794] {strides = array<i32>} : memref<128xi32, #tpu.memory_space<vmem>>, vector<16xi32>,
    %broadcast_in_dim3A_796 = arith.constant true
    %broadcast_in_dim3A_797 = vector.broadcast %broadcast_in_dim3A_796 : i1 to vector<16xi1>
    %unique3A_798, %unique3A_799 = tpu.scan_count mask(%broadcast_in_dim3A_797 : vector<16xi1>) value(%get3A_795 : vector<16xi32>) : vector<16xi1>, vector<16xi32>
    %gather3A_800 = tpu.vector_load_idx %arg9[%get3A_795] : memref<64xi32, #tpu.memory_space<vmem>>[vector<16xi32>], vector<16xi32>,
    %gather3A_801 = tpu.vector_load_idx %arg11[%get3A_795] : memref<64xi32, #tpu.memory_space<vmem>>[vector<16xi32>], vector<16xi32>,
    %add3A_802 = arith.addi %gather3A_801, %gather3A_800 : vector<16xi32>
    %add3A_803 = arith.addi %add3A_802, %unique3A_799 : vector<16xi32>
    %sub3A_804 = arith.constant 1 : i32
    %sub3A_805 = vector.broadcast %sub3A_804 : i32 to vector<16xi32>
    %sub3A_806 = arith.subi %add3A_803, %sub3A_805 : vector<16xi32>
    %swap3A_807 = arith.constant 0 : i32
    %swap3A_808 = arith.index_cast %swap3A_807 : i32 to index
    %swap3A_809 = arith.constant 48 : index
    %swap3A_810 = tpu.vector_load %arg13[%swap3A_808, %swap3A_809] {strides = array<i32>} : memref<1x128xi32, #tpu.memory_space<vmem>>, vector<16xi32>,
    tpu.vector_store %arg13[%swap3A_808, %swap3A_809], %sub3A_806 {strides = array<i32>} : memref<1x128xi32, #tpu.memory_space<vmem>>, vector<16xi32>,
    %add3A_811 = arith.constant 48 : i32
    %add3A_812 = arith.addi %mul3A_0, %add3A_811 : i32
    %add3A_813 = vector.broadcast %add3A_812 : i32 to vector<16xi32>
    %add3A_814 = arith.addi %add3A_813, %iota3A : vector<16xi32>
    %swap3A_815 = arith.constant 48 : index
    %swap3A_816 = tpu.vector_load %arg14[%swap3A_815] {strides = array<i32>} : memref<128xi32, #tpu.memory_space<vmem>>, vector<16xi32>,
    tpu.vector_store %arg14[%swap3A_815], %add3A_814 {strides = array<i32>} : memref<128xi32, #tpu.memory_space<vmem>>, vector<16xi32>,
    %add3A_817 = arith.addi %gather3A_800, %unique3A_799 : vector<16xi32>
    tpu.vector_store_idx %arg9[%get3A_795], %add3A_817 masked %unique3A_798 : memref<64xi32, #tpu.memory_space<vmem>>[vector<16xi32>], vector<16xi32>, vector<16xi1>
    %get3A_818 = arith.constant 64 : index
    %get3A_819 = tpu.vector_load %arg8[%get3A_818] {strides = array<i32>} : memref<128xi32, #tpu.memory_space<vmem>>, vector<16xi32>,
    %broadcast_in_dim3A_820 = arith.constant true
    %broadcast_in_dim3A_821 = vector.broadcast %broadcast_in_dim3A_820 : i1 to vector<16xi1>
    %unique3A_822, %unique3A_823 = tpu.scan_count mask(%broadcast_in_dim3A_821 : vector<16xi1>) value(%get3A_819 : vector<16xi32>) : vector<16xi1>, vector<16xi32>
    %gather3A_824 = tpu.vector_load_idx %arg9[%get3A_819] : memref<64xi32, #tpu.memory_space<vmem>>[vector<16xi32>], vector<16xi32>,
    %gather3A_825 = tpu.vector_load_idx %arg11[%get3A_819] : memref<64xi32, #tpu.memory_space<vmem>>[vector<16xi32>], vector<16xi32>,
    %add3A_826 = arith.addi %gather3A_825, %gather3A_824 : vector<16xi32>
    %add3A_827 = arith.addi %add3A_826, %unique3A_823 : vector<16xi32>
    %sub3A_828 = arith.constant 1 : i32
    %sub3A_829 = vector.broadcast %sub3A_828 : i32 to vector<16xi32>
    %sub3A_830 = arith.subi %add3A_827, %sub3A_829 : vector<16xi32>
    %swap3A_831 = arith.constant 0 : i32
    %swap3A_832 = arith.index_cast %swap3A_831 : i32 to index
    %swap3A_833 = arith.constant 64 : index
    %swap3A_834 = tpu.vector_load %arg13[%swap3A_832, %swap3A_833] {strides = array<i32>} : memref<1x128xi32, #tpu.memory_space<vmem>>, vector<16xi32>,
    tpu.vector_store %arg13[%swap3A_832, %swap3A_833], %sub3A_830 {strides = array<i32>} : memref<1x128xi32, #tpu.memory_space<vmem>>, vector<16xi32>,
    %add3A_835 = arith.constant 64 : i32
    %add3A_836 = arith.addi %mul3A_0, %add3A_835 : i32
    %add3A_837 = vector.broadcast %add3A_836 : i32 to vector<16xi32>
    %add3A_838 = arith.addi %add3A_837, %iota3A : vector<16xi32>
    %swap3A_839 = arith.constant 64 : index
    %swap3A_840 = tpu.vector_load %arg14[%swap3A_839] {strides = array<i32>} : memref<128xi32, #tpu.memory_space<vmem>>, vector<16xi32>,
    tpu.vector_store %arg14[%swap3A_839], %add3A_838 {strides = array<i32>} : memref<128xi32, #tpu.memory_space<vmem>>, vector<16xi32>,
    %add3A_841 = arith.addi %gather3A_824, %unique3A_823 : vector<16xi32>
    tpu.vector_store_idx %arg9[%get3A_819], %add3A_841 masked %unique3A_822 : memref<64xi32, #tpu.memory_space<vmem>>[vector<16xi32>], vector<16xi32>, vector<16xi1>
    %get3A_842 = arith.constant 80 : index
    %get3A_843 = tpu.vector_load %arg8[%get3A_842] {strides = array<i32>} : memref<128xi32, #tpu.memory_space<vmem>>, vector<16xi32>,
    %broadcast_in_dim3A_844 = arith.constant true
    %broadcast_in_dim3A_845 = vector.broadcast %broadcast_in_dim3A_844 : i1 to vector<16xi1>
    %unique3A_846, %unique3A_847 = tpu.scan_count mask(%broadcast_in_dim3A_845 : vector<16xi1>) value(%get3A_843 : vector<16xi32>) : vector<16xi1>, vector<16xi32>
    %gather3A_848 = tpu.vector_load_idx %arg9[%get3A_843] : memref<64xi32, #tpu.memory_space<vmem>>[vector<16xi32>], vector<16xi32>,
    %gather3A_849 = tpu.vector_load_idx %arg11[%get3A_843] : memref<64xi32, #tpu.memory_space<vmem>>[vector<16xi32>], vector<16xi32>,
    %add3A_850 = arith.addi %gather3A_849, %gather3A_848 : vector<16xi32>
    %add3A_851 = arith.addi %add3A_850, %unique3A_847 : vector<16xi32>
    %sub3A_852 = arith.constant 1 : i32
    %sub3A_853 = vector.broadcast %sub3A_852 : i32 to vector<16xi32>
    %sub3A_854 = arith.subi %add3A_851, %sub3A_853 : vector<16xi32>
    %swap3A_855 = arith.constant 0 : i32
    %swap3A_856 = arith.index_cast %swap3A_855 : i32 to index
    %swap3A_857 = arith.constant 80 : index
    %swap3A_858 = tpu.vector_load %arg13[%swap3A_856, %swap3A_857] {strides = array<i32>} : memref<1x128xi32, #tpu.memory_space<vmem>>, vector<16xi32>,
    tpu.vector_store %arg13[%swap3A_856, %swap3A_857], %sub3A_854 {strides = array<i32>} : memref<1x128xi32, #tpu.memory_space<vmem>>, vector<16xi32>,
    %add3A_859 = arith.constant 80 : i32
    %add3A_860 = arith.addi %mul3A_0, %add3A_859 : i32
    %add3A_861 = vector.broadcast %add3A_860 : i32 to vector<16xi32>
    %add3A_862 = arith.addi %add3A_861, %iota3A : vector<16xi32>
    %swap3A_863 = arith.constant 80 : index
    %swap3A_864 = tpu.vector_load %arg14[%swap3A_863] {strides = array<i32>} : memref<128xi32, #tpu.memory_space<vmem>>, vector<16xi32>,
    tpu.vector_store %arg14[%swap3A_863], %add3A_862 {strides = array<i32>} : memref<128xi32, #tpu.memory_space<vmem>>, vector<16xi32>,
    %add3A_865 = arith.addi %gather3A_848, %unique3A_847 : vector<16xi32>
    tpu.vector_store_idx %arg9[%get3A_843], %add3A_865 masked %unique3A_846 : memref<64xi32, #tpu.memory_space<vmem>>[vector<16xi32>], vector<16xi32>, vector<16xi1>
    %get3A_866 = arith.constant 96 : index
    %get3A_867 = tpu.vector_load %arg8[%get3A_866] {strides = array<i32>} : memref<128xi32, #tpu.memory_space<vmem>>, vector<16xi32>,
    %broadcast_in_dim3A_868 = arith.constant true
    %broadcast_in_dim3A_869 = vector.broadcast %broadcast_in_dim3A_868 : i1 to vector<16xi1>
    %unique3A_870, %unique3A_871 = tpu.scan_count mask(%broadcast_in_dim3A_869 : vector<16xi1>) value(%get3A_867 : vector<16xi32>) : vector<16xi1>, vector<16xi32>
    %gather3A_872 = tpu.vector_load_idx %arg9[%get3A_867] : memref<64xi32, #tpu.memory_space<vmem>>[vector<16xi32>], vector<16xi32>,
    %gather3A_873 = tpu.vector_load_idx %arg11[%get3A_867] : memref<64xi32, #tpu.memory_space<vmem>>[vector<16xi32>], vector<16xi32>,
    %add3A_874 = arith.addi %gather3A_873, %gather3A_872 : vector<16xi32>
    %add3A_875 = arith.addi %add3A_874, %unique3A_871 : vector<16xi32>
    %sub3A_876 = arith.constant 1 : i32
    %sub3A_877 = vector.broadcast %sub3A_876 : i32 to vector<16xi32>
    %sub3A_878 = arith.subi %add3A_875, %sub3A_877 : vector<16xi32>
    %swap3A_879 = arith.constant 0 : i32
    %swap3A_880 = arith.index_cast %swap3A_879 : i32 to index
    %swap3A_881 = arith.constant 96 : index
    %swap3A_882 = tpu.vector_load %arg13[%swap3A_880, %swap3A_881] {strides = array<i32>} : memref<1x128xi32, #tpu.memory_space<vmem>>, vector<16xi32>,
    tpu.vector_store %arg13[%swap3A_880, %swap3A_881], %sub3A_878 {strides = array<i32>} : memref<1x128xi32, #tpu.memory_space<vmem>>, vector<16xi32>,
    %add3A_883 = arith.constant 96 : i32
    %add3A_884 = arith.addi %mul3A_0, %add3A_883 : i32
    %add3A_885 = vector.broadcast %add3A_884 : i32 to vector<16xi32>
    %add3A_886 = arith.addi %add3A_885, %iota3A : vector<16xi32>
    %swap3A_887 = arith.constant 96 : index
    %swap3A_888 = tpu.vector_load %arg14[%swap3A_887] {strides = array<i32>} : memref<128xi32, #tpu.memory_space<vmem>>, vector<16xi32>,
    tpu.vector_store %arg14[%swap3A_887], %add3A_886 {strides = array<i32>} : memref<128xi32, #tpu.memory_space<vmem>>, vector<16xi32>,
    %add3A_889 = arith.addi %gather3A_872, %unique3A_871 : vector<16xi32>
    tpu.vector_store_idx %arg9[%get3A_867], %add3A_889 masked %unique3A_870 : memref<64xi32, #tpu.memory_space<vmem>>[vector<16xi32>], vector<16xi32>, vector<16xi1>
    %get3A_890 = arith.constant 112 : index
    %get3A_891 = tpu.vector_load %arg8[%get3A_890] {strides = array<i32>} : memref<128xi32, #tpu.memory_space<vmem>>, vector<16xi32>,
    %broadcast_in_dim3A_892 = arith.constant true
    %broadcast_in_dim3A_893 = vector.broadcast %broadcast_in_dim3A_892 : i1 to vector<16xi1>
    %unique3A_894, %unique3A_895 = tpu.scan_count mask(%broadcast_in_dim3A_893 : vector<16xi1>) value(%get3A_891 : vector<16xi32>) : vector<16xi1>, vector<16xi32>
    %gather3A_896 = tpu.vector_load_idx %arg9[%get3A_891] : memref<64xi32, #tpu.memory_space<vmem>>[vector<16xi32>], vector<16xi32>,
    %gather3A_897 = tpu.vector_load_idx %arg11[%get3A_891] : memref<64xi32, #tpu.memory_space<vmem>>[vector<16xi32>], vector<16xi32>,
    %add3A_898 = arith.addi %gather3A_897, %gather3A_896 : vector<16xi32>
    %add3A_899 = arith.addi %add3A_898, %unique3A_895 : vector<16xi32>
    %sub3A_900 = arith.constant 1 : i32
    %sub3A_901 = vector.broadcast %sub3A_900 : i32 to vector<16xi32>
    %sub3A_902 = arith.subi %add3A_899, %sub3A_901 : vector<16xi32>
    %swap3A_903 = arith.constant 0 : i32
    %swap3A_904 = arith.index_cast %swap3A_903 : i32 to index
    %swap3A_905 = arith.constant 112 : index
    %swap3A_906 = tpu.vector_load %arg13[%swap3A_904, %swap3A_905] {strides = array<i32>} : memref<1x128xi32, #tpu.memory_space<vmem>>, vector<16xi32>,
    tpu.vector_store %arg13[%swap3A_904, %swap3A_905], %sub3A_902 {strides = array<i32>} : memref<1x128xi32, #tpu.memory_space<vmem>>, vector<16xi32>,
    %add3A_907 = arith.constant 112 : i32
    %add3A_908 = arith.addi %mul3A_0, %add3A_907 : i32
    %add3A_909 = vector.broadcast %add3A_908 : i32 to vector<16xi32>
    %add3A_910 = arith.addi %add3A_909, %iota3A : vector<16xi32>
    %swap3A_911 = arith.constant 112 : index
    %swap3A_912 = tpu.vector_load %arg14[%swap3A_911] {strides = array<i32>} : memref<128xi32, #tpu.memory_space<vmem>>, vector<16xi32>,
    tpu.vector_store %arg14[%swap3A_911], %add3A_910 {strides = array<i32>} : memref<128xi32, #tpu.memory_space<vmem>>, vector<16xi32>,
    %add3A_913 = arith.addi %gather3A_896, %unique3A_895 : vector<16xi32>
    tpu.vector_store_idx %arg9[%get3A_891], %add3A_913 masked %unique3A_894 : memref<64xi32, #tpu.memory_space<vmem>>[vector<16xi32>], vector<16xi32>, vector<16xi1>
    %run_scoped3A = arith.constant 0 : i32
    "tpu.region"() ({
      %run_scoped3A_922 = tpu.sem_alloc : memref<!tpu.dma_semaphore, #tpu.memory_space<semaphore_mem>>
      %dma_start3A_923 = arith.constant 0 : i32
      %dma_start3A_924 = tpu.memref_slice %arg13[%run_scoped3A, %dma_start3A_923] : memref<1x128xi32, #tpu.memory_space<vmem>> -> memref<1x128xi32, #tpu.memory_space<vmem>>
      %dma_start3A_925 = tpu.memref_squeeze %dma_start3A_924 : memref<1x128xi32, #tpu.memory_space<vmem>> -> memref<128xi32, #tpu.memory_space<vmem>>
      %dma_start3A_926 = arith.constant 0 : i32
      %dma_start3A_927 = tpu.memref_slice %arg7[%dma_start3A_926] : memref<2048xi32, #tpu.memory_space<vmem_shared>> -> memref<2048xi32, #tpu.memory_space<vmem_shared>>
      tpu.enqueue_indirect_dma source(%arg14 : memref<128xi32, #tpu.memory_space<vmem>>) target(%dma_start3A_927 : memref<2048xi32, #tpu.memory_space<vmem_shared>>) offsets(%dma_start3A_925 : memref<128xi32, #tpu.memory_space<vmem>>) semaphore(%run_scoped3A_922 : memref<!tpu.dma_semaphore, #tpu.memory_space<semaphore_mem>>)
      %dma_wait3A_928 = arith.constant 0 : i32
      %dma_wait3A_929 = tpu.memref_slice %arg13[%run_scoped3A, %dma_wait3A_928] : memref<1x128xi32, #tpu.memory_space<vmem>> -> memref<1x128xi32, #tpu.memory_space<vmem>>
      %dma_wait3A_930 = tpu.memref_squeeze %dma_wait3A_929 : memref<1x128xi32, #tpu.memory_space<vmem>> -> memref<128xi32, #tpu.memory_space<vmem>>
      %dma_wait3A_931 = arith.constant 0 : i32
      %dma_wait3A_932 = tpu.memref_slice %arg7[%dma_wait3A_931] : memref<2048xi32, #tpu.memory_space<vmem_shared>> -> memref<2048xi32, #tpu.memory_space<vmem_shared>>
      tpu.wait_indirect_dma semaphore(%run_scoped3A_922 : memref<!tpu.dma_semaphore, #tpu.memory_space<semaphore_mem>>) src(%arg14 : memref<128xi32, #tpu.memory_space<vmem>>) dst(%dma_wait3A_932 : memref<2048xi32, #tpu.memory_space<vmem_shared>>)
      tpu.yield
    }) : () -> ()
    %barrier3A_914 = arith.constant 0 : index
    tpu.barrier barrier_id(%barrier3A_914)
    "tpu.region"() ({
      %run_scoped3A_922 = tpu.sem_alloc : memref<!tpu.dma_semaphore, #tpu.memory_space<semaphore_mem>>
      %dma_start3A_923 = tpu.memref_slice %arg7[%mul3A_0] : memref<2048xi32, #tpu.memory_space<vmem_shared>> -> memref<128xi32, #tpu.memory_space<vmem_shared>>
      %dma_start3A_924 = tpu.memref_slice %arg7[%mul3A_0] : memref<2048xi32, #tpu.memory_space<vmem_shared>> -> memref<128xi32, #tpu.memory_space<vmem_shared>>
      tpu.enqueue_dma source(%dma_start3A_924 : memref<128xi32, #tpu.memory_space<vmem_shared>>) target(%arg15 : memref<128xi32, #tpu.memory_space<vmem>>) target_semaphore(%run_scoped3A_922 : memref<!tpu.dma_semaphore, #tpu.memory_space<semaphore_mem>>)
      %dma_wait3A_925 = tpu.memref_slice %arg7[%mul3A_0] : memref<2048xi32, #tpu.memory_space<vmem_shared>> -> memref<128xi32, #tpu.memory_space<vmem_shared>>
      %dma_wait3A_926 = tpu.memref_slice %arg7[%mul3A_0] : memref<2048xi32, #tpu.memory_space<vmem_shared>> -> memref<128xi32, #tpu.memory_space<vmem_shared>>
      tpu.wait_dma2 semaphore(%run_scoped3A_922 : memref<!tpu.dma_semaphore, #tpu.memory_space<semaphore_mem>>) src(%dma_wait3A_926 : memref<128xi32, #tpu.memory_space<vmem_shared>>) dst(%arg15 : memref<128xi32, #tpu.memory_space<vmem>>)
      tpu.yield
    }) : () -> ()
    %dma_start3A = arith.constant 0 : i32
    %dma_start3A_915 = arith.constant 0 : i32
    %dma_start3A_916 = tpu.memref_slice %arg3[%dma_start3A, %dma_start3A_915] : memref<2048x384xi32, #tpu.memory_space<hbm>> -> memref<2048x384xi32, #tpu.memory_space<hbm>>
    tpu.enqueue_indirect_dma source(%dma_start3A_916 : memref<2048x384xi32, #tpu.memory_space<hbm>>) target(%arg16 : memref<128x384xi32, #tpu.memory_space<vmem>>) offsets(%arg15 : memref<128xi32, #tpu.memory_space<vmem>>) semaphore(%arg17 : memref<!tpu.dma_semaphore, #tpu.memory_space<semaphore_mem>>)
    %dma_wait3A = arith.constant 0 : i32
    %dma_wait3A_917 = arith.constant 0 : i32
    %dma_wait3A_918 = tpu.memref_slice %arg3[%dma_wait3A, %dma_wait3A_917] : memref<2048x384xi32, #tpu.memory_space<hbm>> -> memref<2048x384xi32, #tpu.memory_space<hbm>>
    tpu.wait_indirect_dma semaphore(%arg17 : memref<!tpu.dma_semaphore, #tpu.memory_space<semaphore_mem>>) src(%dma_wait3A_918 : memref<2048x384xi32, #tpu.memory_space<hbm>>) dst(%arg16 : memref<128x384xi32, #tpu.memory_space<vmem>>)
    "tpu.region"() ({
      %run_scoped3A_922 = tpu.sem_alloc : memref<!tpu.dma_semaphore, #tpu.memory_space<semaphore_mem>>
      %dma_start3A_923 = arith.constant 0 : i32
      %dma_start3A_924 = tpu.memref_slice %arg4[%mul3A_0, %dma_start3A_923] : memref<2048x384xi32, #tpu.memory_space<hbm>> -> memref<128x384xi32, #tpu.memory_space<hbm>>
      %dma_start3A_925 = arith.constant 0 : i32
      %dma_start3A_926 = tpu.memref_slice %arg4[%mul3A_0, %dma_start3A_925] : memref<2048x384xi32, #tpu.memory_space<hbm>> -> memref<128x384xi32, #tpu.memory_space<hbm>>
      tpu.enqueue_dma source(%arg16 : memref<128x384xi32, #tpu.memory_space<vmem>>) target(%dma_start3A_926 : memref<128x384xi32, #tpu.memory_space<hbm>>) target_semaphore(%run_scoped3A_922 : memref<!tpu.dma_semaphore, #tpu.memory_space<semaphore_mem>>)
      %dma_wait3A_927 = arith.constant 0 : i32
      %dma_wait3A_928 = tpu.memref_slice %arg4[%mul3A_0, %dma_wait3A_927] : memref<2048x384xi32, #tpu.memory_space<hbm>> -> memref<128x384xi32, #tpu.memory_space<hbm>>
      %dma_wait3A_929 = arith.constant 0 : i32
      %dma_wait3A_930 = tpu.memref_slice %arg4[%mul3A_0, %dma_wait3A_929] : memref<2048x384xi32, #tpu.memory_space<hbm>> -> memref<128x384xi32, #tpu.memory_space<hbm>>
      tpu.wait_dma2 semaphore(%run_scoped3A_922 : memref<!tpu.dma_semaphore, #tpu.memory_space<semaphore_mem>>) src(%arg16 : memref<128x384xi32, #tpu.memory_space<vmem>>) dst(%dma_wait3A_930 : memref<128x384xi32, #tpu.memory_space<hbm>>)
      tpu.yield
    }) : () -> ()
    %eq3A_919 = arith.constant 0 : i32
    %eq3A_920 = arith.cmpi eq, %arg1, %eq3A_919 : i32
    %convert_element_type3A = arith.extui %eq3A_920 : i1 to i32
    %cond3A = arith.constant 0 : i32
    %cond3A_921 = arith.cmpi ne, %convert_element_type3A, %cond3A : i32
    scf.if %cond3A_921 {
      "tpu.region"() ({
        %run_scoped3A_922 = tpu.sem_alloc : memref<!tpu.dma_semaphore, #tpu.memory_space<semaphore_mem>>
        tpu.enqueue_dma source(%arg12 : memref<80xi32, #tpu.memory_space<vmem>>) target(%arg5 : memref<80xi32, #tpu.memory_space<hbm>>) target_semaphore(%run_scoped3A_922 : memref<!tpu.dma_semaphore, #tpu.memory_space<semaphore_mem>>)
        tpu.wait_dma2 semaphore(%run_scoped3A_922 : memref<!tpu.dma_semaphore, #tpu.memory_space<semaphore_mem>>) src(%arg12 : memref<80xi32, #tpu.memory_space<vmem>>) dst(%arg5 : memref<80xi32, #tpu.memory_space<hbm>>)
        tpu.yield
      }) : () -> ()
    } else {
    }
    return
  }
}

module attributes {stable_mosaic.version = 14 : i64} {
  func.func @_tc_matmul_body(%arg0: i32, %arg1: memref<80xi32, #tpu.memory_space<smem>>, %arg2: memref<32x64x384xi32, #tpu.memory_space<vmem>>, %arg3: memref<1x768x768xbf16, #tpu.memory_space<vmem>>, %arg4: memref<32x64x768xf16, #tpu.memory_space<vmem>>, %arg5: memref<32x64x768xf32, #tpu.memory_space<vmem>>) attributes {dimension_semantics = [#tpu.dimension_semantics<arbitrary>], iteration_bounds = array<i64: 64>, scalar_prefetch = 1 : i64, scratch_operands = 1 : i64, tpu.core_type = #tpu.core_type<tc>, window_params = [{pipeline_mode = #tpu.pipeline_mode<synchronous>, transform_indices = @transform_0, window_bounds = array<i64: 32, 64, 384>}, {transform_indices = @transform_1, window_bounds = array<i64: 1, 768, 768>}, {pipeline_mode = #tpu.pipeline_mode<synchronous>, transform_indices = @transform_2, window_bounds = array<i64: 32, 64, 768>}]} {
    %eq3A = arith.constant 0 : i32
    %eq3A_0 = arith.cmpi eq, %arg0, %eq3A : i32
    %convert_element_type3A = arith.extui %eq3A_0 : i1 to i32
    %cond3A = arith.constant 0 : i32
    %cond3A_1 = arith.cmpi ne, %convert_element_type3A, %cond3A : i32
    scf.if %cond3A_1 {
      %broadcast_in_dim3A = arith.constant 0.000000e+00 : f32
      %broadcast_in_dim3A_53 = vector.broadcast %broadcast_in_dim3A : f32 to vector<32x64x768xf32>
      %swap3A = arith.constant 0 : index
      %swap3A_54 = arith.constant 0 : index
      %swap3A_55 = arith.constant 0 : index
      %swap3A_56 = vector.load %arg5[%swap3A, %swap3A_54, %swap3A_55] : memref<32x64x768xf32, #tpu.memory_space<vmem>>, vector<32x64x768xf32>
      tpu.vector_store %arg5[%swap3A, %swap3A_54, %swap3A_55], %broadcast_in_dim3A_53 {strides = array<i32>} : memref<32x64x768xf32, #tpu.memory_space<vmem>>, vector<32x64x768xf32>,
    } else {
    }
    %get3A = arith.index_cast %arg0 : i32 to index
    %get3A_2 = memref.load %arg1[%get3A] : memref<80xi32, #tpu.memory_space<smem>>
    %add3A = arith.constant 1 : i32
    %add3A_3 = arith.addi %arg0, %add3A : i32
    %get3A_4 = arith.index_cast %add3A_3 : i32 to index
    %get3A_5 = memref.load %arg1[%get3A_4] : memref<80xi32, #tpu.memory_space<smem>>
    %jit3A = arith.constant 64 : i32
    %div3A = arith.divsi %get3A_2, %jit3A : i32
    %sign3A = arith.constant 0 : i32
    %sign3A_6 = arith.cmpi sgt, %get3A_2, %sign3A : i32
    %sign3A_7 = arith.extui %sign3A_6 : i1 to i32
    %sign3A_8 = arith.constant 0 : i32
    %sign3A_9 = arith.cmpi slt, %get3A_2, %sign3A_8 : i32
    %sign3A_10 = arith.extui %sign3A_9 : i1 to i32
    %sign3A_11 = arith.subi %sign3A_7, %sign3A_10 : i32
    %sign3A_12 = arith.constant 0 : i32
    %sign3A_13 = arith.cmpi sgt, %jit3A, %sign3A_12 : i32
    %sign3A_14 = arith.extui %sign3A_13 : i1 to i32
    %sign3A_15 = arith.constant 0 : i32
    %sign3A_16 = arith.cmpi slt, %jit3A, %sign3A_15 : i32
    %sign3A_17 = arith.extui %sign3A_16 : i1 to i32
    %sign3A_18 = arith.subi %sign3A_14, %sign3A_17 : i32
    %ne3A = arith.cmpi ne, %sign3A_11, %sign3A_18 : i32
    %rem3A = arith.remsi %get3A_2, %jit3A : i32
    %ne3A_19 = arith.constant 0 : i32
    %ne3A_20 = arith.cmpi ne, %rem3A, %ne3A_19 : i32
    %and3A = arith.andi %ne3A, %ne3A_20 : i1
    %sub3A = arith.constant 1 : i32
    %sub3A_21 = arith.subi %div3A, %sub3A : i32
    %select_n3A = arith.select %and3A, %sub3A_21, %div3A : i32
    %add3A_22 = arith.constant 64 : i32
    %add3A_23 = arith.addi %get3A_5, %add3A_22 : i32
    %sub3A_24 = arith.constant 1 : i32
    %sub3A_25 = arith.subi %add3A_23, %sub3A_24 : i32
    %div3A_26 = arith.constant 64 : i32
    %div3A_27 = arith.divsi %sub3A_25, %div3A_26 : i32
    %get3A_28 = arith.constant 0 : index
    %get3A_29 = arith.constant 0 : index
    %get3A_30 = arith.constant 0 : index
    %get3A_31 = vector.load %arg3[%get3A_28, %get3A_29, %get3A_30] : memref<1x768x768xbf16, #tpu.memory_space<vmem>>, vector<1x384x768xbf16>
    %get3A_32 = vector.shape_cast %get3A_31 : vector<1x384x768xbf16> to vector<384x768xbf16>
    %get3A_33 = arith.constant 0 : index
    %get3A_34 = arith.constant 384 : index
    %get3A_35 = arith.constant 0 : index
    %get3A_36 = vector.load %arg3[%get3A_33, %get3A_34, %get3A_35] : memref<1x768x768xbf16, #tpu.memory_space<vmem>>, vector<1x384x768xbf16>
    %get3A_37 = vector.shape_cast %get3A_36 : vector<1x384x768xbf16> to vector<384x768xbf16>
    %sub3A_38 = arith.subi %div3A_27, %select_n3A : i32
    %while3A = arith.constant 0 : i32
    %while3A_39 = arith.constant 0 : i32
    %while3A_40 = arith.subi %sub3A_38, %while3A_39 : i32
    %while3A_41 = arith.addi %while3A_39, %while3A_40 : i32
    %while3A_42 = arith.constant 1 : i32
    %while3A_43 = arith.divsi %while3A_40, %while3A_42 : i32
    %while3A_44 = arith.muli %while3A_43, %while3A_42 : i32
    %while3A_45 = arith.addi %while3A_39, %while3A_44 : i32
    %while3A_46 = arith.constant 1 : i32
    scf.for %while3A_53 = %while3A_39 to %while3A_45 step %while3A_46  : i32 {
      %add3A_54 = arith.addi %select_n3A, %while3A_53 : i32
      %get3A_55 = arith.index_cast %add3A_54 : i32 to index
      %get3A_56 = arith.constant 0 : index
      %get3A_57 = arith.constant 0 : index
      %get3A_58 = vector.load %arg2[%get3A_55, %get3A_56, %get3A_57] : memref<32x64x384xi32, #tpu.memory_space<vmem>>, vector<1x64x384xi32>
      %get3A_59 = vector.shape_cast %get3A_58 : vector<1x64x384xi32> to vector<64x384xi32>
      %mul3A = arith.constant 64 : i32
      %mul3A_60 = arith.muli %add3A_54, %mul3A : i32
      %iota3A = tpu.iota {dimensions = array<i32: 0>} : vector<64x1xi32>
      %add3A_61 = vector.broadcast %mul3A_60 : i32 to vector<64x1xi32>
      %add3A_62 = arith.addi %add3A_61, %iota3A : vector<64x1xi32>
      %ge3A = vector.broadcast %get3A_2 : i32 to vector<64x1xi32>
      %ge3A_63 = arith.cmpi sge, %add3A_62, %ge3A : vector<64x1xi32>
      %lt3A = vector.broadcast %get3A_5 : i32 to vector<64x1xi32>
      %lt3A_64 = arith.cmpi slt, %add3A_62, %lt3A : vector<64x1xi32>
      %and3A_65 = arith.andi %ge3A_63, %lt3A_64 : vector<64x1xi1>
      %and3A_66 = arith.constant 65535 : i32
      %and3A_67 = vector.broadcast %and3A_66 : i32 to vector<64x384xi32>
      %and3A_68 = arith.andi %get3A_59, %and3A_67 : vector<64x384xi32>
      %and3A_69 = arith.constant 32768 : i32
      %and3A_70 = vector.broadcast %and3A_69 : i32 to vector<64x384xi32>
      %and3A_71 = arith.andi %and3A_68, %and3A_70 : vector<64x384xi32>
      %shift_left3A = arith.constant 16 : i32
      %shift_left3A_72 = vector.broadcast %shift_left3A : i32 to vector<64x384xi32>
      %shift_left3A_73 = arith.shli %and3A_71, %shift_left3A_72 : vector<64x384xi32>
      %and3A_74 = arith.constant 32767 : i32
      %and3A_75 = vector.broadcast %and3A_74 : i32 to vector<64x384xi32>
      %and3A_76 = arith.andi %and3A_68, %and3A_75 : vector<64x384xi32>
      %shift_left3A_77 = arith.constant 13 : i32
      %shift_left3A_78 = vector.broadcast %shift_left3A_77 : i32 to vector<64x384xi32>
      %shift_left3A_79 = arith.shli %and3A_76, %shift_left3A_78 : vector<64x384xi32>
      %add3A_80 = arith.constant 939524096 : i32
      %add3A_81 = vector.broadcast %add3A_80 : i32 to vector<64x384xi32>
      %add3A_82 = arith.addi %shift_left3A_79, %add3A_81 : vector<64x384xi32>
      %or3A = arith.ori %shift_left3A_73, %add3A_82 : vector<64x384xi32>
      %bitcast_convert_type3A = tpu.bitcast %or3A : vector<64x384xi32> -> vector<64x384xf32>
      %jit3A_83 = arith.constant 0.000000e+00 : f32
      %broadcast_in_dim3A = vector.shape_cast %and3A_65 : vector<64x1xi1> to vector<64x1xi1>
      %broadcast_in_dim3A_84 = vector.broadcast %broadcast_in_dim3A : vector<64x1xi1> to vector<64x384xi1>
      %broadcast_in_dim3A_85 = vector.broadcast %jit3A_83 : f32 to vector<64x384xf32>
      %select_n3A_86 = arith.select %broadcast_in_dim3A_84, %bitcast_convert_type3A, %broadcast_in_dim3A_85 : vector<64x384xi1>, vector<64x384xf32>
      %convert_element_type3A_87 = arith.truncf %select_n3A_86 : vector<64x384xf32> to vector<64x384xbf16>
      %shift_right_arithmetic3A = arith.constant 16 : i32
      %shift_right_arithmetic3A_88 = vector.broadcast %shift_right_arithmetic3A : i32 to vector<64x384xi32>
      %shift_right_arithmetic3A_89 = arith.shrsi %get3A_59, %shift_right_arithmetic3A_88 : vector<64x384xi32>
      %and3A_90 = arith.constant 65535 : i32
      %and3A_91 = vector.broadcast %and3A_90 : i32 to vector<64x384xi32>
      %and3A_92 = arith.andi %shift_right_arithmetic3A_89, %and3A_91 : vector<64x384xi32>
      %and3A_93 = arith.constant 32768 : i32
      %and3A_94 = vector.broadcast %and3A_93 : i32 to vector<64x384xi32>
      %and3A_95 = arith.andi %and3A_92, %and3A_94 : vector<64x384xi32>
      %shift_left3A_96 = arith.constant 16 : i32
      %shift_left3A_97 = vector.broadcast %shift_left3A_96 : i32 to vector<64x384xi32>
      %shift_left3A_98 = arith.shli %and3A_95, %shift_left3A_97 : vector<64x384xi32>
      %and3A_99 = arith.constant 32767 : i32
      %and3A_100 = vector.broadcast %and3A_99 : i32 to vector<64x384xi32>
      %and3A_101 = arith.andi %and3A_92, %and3A_100 : vector<64x384xi32>
      %shift_left3A_102 = arith.constant 13 : i32
      %shift_left3A_103 = vector.broadcast %shift_left3A_102 : i32 to vector<64x384xi32>
      %shift_left3A_104 = arith.shli %and3A_101, %shift_left3A_103 : vector<64x384xi32>
      %add3A_105 = arith.constant 939524096 : i32
      %add3A_106 = vector.broadcast %add3A_105 : i32 to vector<64x384xi32>
      %add3A_107 = arith.addi %shift_left3A_104, %add3A_106 : vector<64x384xi32>
      %or3A_108 = arith.ori %shift_left3A_98, %add3A_107 : vector<64x384xi32>
      %bitcast_convert_type3A_109 = tpu.bitcast %or3A_108 : vector<64x384xi32> -> vector<64x384xf32>
      %jit3A_110 = arith.constant 0.000000e+00 : f32
      %broadcast_in_dim3A_111 = vector.shape_cast %and3A_65 : vector<64x1xi1> to vector<64x1xi1>
      %broadcast_in_dim3A_112 = vector.broadcast %broadcast_in_dim3A_111 : vector<64x1xi1> to vector<64x384xi1>
      %broadcast_in_dim3A_113 = vector.broadcast %jit3A_110 : f32 to vector<64x384xf32>
      %select_n3A_114 = arith.select %broadcast_in_dim3A_112, %bitcast_convert_type3A_109, %broadcast_in_dim3A_113 : vector<64x384xi1>, vector<64x384xf32>
      %convert_element_type3A_115 = arith.truncf %select_n3A_114 : vector<64x384xf32> to vector<64x384xbf16>
      %get3A_116 = arith.index_cast %add3A_54 : i32 to index
      %get3A_117 = arith.constant 0 : index
      %get3A_118 = arith.constant 0 : index
      %get3A_119 = vector.load %arg5[%get3A_116, %get3A_117, %get3A_118] : memref<32x64x768xf32, #tpu.memory_space<vmem>>, vector<1x64x768xf32>
      %get3A_120 = vector.shape_cast %get3A_119 : vector<1x64x768xf32> to vector<64x768xf32>
      %dot_general3A = arith.constant dense<0.000000e+00> : vector<64x768xf32>
      %dot_general3A_121 = tpu.matmul %convert_element_type3A_87, %get3A_32, %dot_general3A {dimension_numbers = #tpu.dot_dimension_numbers<[1], [0], [0], [1], [0, 0, 1, 1], [], []>, transpose_lhs_hint = false} : vector<64x384xbf16>, vector<384x768xbf16>, vector<64x768xf32> -> vector<64x768xf32>
      %add3A_122 = arith.addf %get3A_120, %dot_general3A_121 : vector<64x768xf32>
      %dot_general3A_123 = arith.constant dense<0.000000e+00> : vector<64x768xf32>
      %dot_general3A_124 = tpu.matmul %convert_element_type3A_115, %get3A_37, %dot_general3A_123 {dimension_numbers = #tpu.dot_dimension_numbers<[1], [0], [0], [1], [0, 0, 1, 1], [], []>, transpose_lhs_hint = false} : vector<64x384xbf16>, vector<384x768xbf16>, vector<64x768xf32> -> vector<64x768xf32>
      %add3A_125 = arith.addf %add3A_122, %dot_general3A_124 : vector<64x768xf32>
      %swap3A = arith.index_cast %add3A_54 : i32 to index
      %swap3A_126 = arith.constant 0 : index
      %swap3A_127 = arith.constant 0 : index
      %swap3A_128 = vector.load %arg5[%swap3A, %swap3A_126, %swap3A_127] : memref<32x64x768xf32, #tpu.memory_space<vmem>>, vector<1x64x768xf32>
      %swap3A_129 = vector.shape_cast %swap3A_128 : vector<1x64x768xf32> to vector<64x768xf32>
      %swap3A_130 = vector.shape_cast %add3A_125 : vector<64x768xf32> to vector<1x64x768xf32>
      tpu.vector_store %arg5[%swap3A, %swap3A_126, %swap3A_127], %swap3A_130 {strides = array<i32>} : memref<32x64x768xf32, #tpu.memory_space<vmem>>, vector<1x64x768xf32>,
    }
    %while3A_47 = arith.constant 1 : i32
    scf.for %while3A_53 = %while3A_45 to %while3A_41 step %while3A_47  : i32 {
      %add3A_54 = arith.addi %select_n3A, %while3A_53 : i32
      %get3A_55 = arith.index_cast %add3A_54 : i32 to index
      %get3A_56 = arith.constant 0 : index
      %get3A_57 = arith.constant 0 : index
      %get3A_58 = vector.load %arg2[%get3A_55, %get3A_56, %get3A_57] : memref<32x64x384xi32, #tpu.memory_space<vmem>>, vector<1x64x384xi32>
      %get3A_59 = vector.shape_cast %get3A_58 : vector<1x64x384xi32> to vector<64x384xi32>
      %mul3A = arith.constant 64 : i32
      %mul3A_60 = arith.muli %add3A_54, %mul3A : i32
      %iota3A = tpu.iota {dimensions = array<i32: 0>} : vector<64x1xi32>
      %add3A_61 = vector.broadcast %mul3A_60 : i32 to vector<64x1xi32>
      %add3A_62 = arith.addi %add3A_61, %iota3A : vector<64x1xi32>
      %ge3A = vector.broadcast %get3A_2 : i32 to vector<64x1xi32>
      %ge3A_63 = arith.cmpi sge, %add3A_62, %ge3A : vector<64x1xi32>
      %lt3A = vector.broadcast %get3A_5 : i32 to vector<64x1xi32>
      %lt3A_64 = arith.cmpi slt, %add3A_62, %lt3A : vector<64x1xi32>
      %and3A_65 = arith.andi %ge3A_63, %lt3A_64 : vector<64x1xi1>
      %and3A_66 = arith.constant 65535 : i32
      %and3A_67 = vector.broadcast %and3A_66 : i32 to vector<64x384xi32>
      %and3A_68 = arith.andi %get3A_59, %and3A_67 : vector<64x384xi32>
      %and3A_69 = arith.constant 32768 : i32
      %and3A_70 = vector.broadcast %and3A_69 : i32 to vector<64x384xi32>
      %and3A_71 = arith.andi %and3A_68, %and3A_70 : vector<64x384xi32>
      %shift_left3A = arith.constant 16 : i32
      %shift_left3A_72 = vector.broadcast %shift_left3A : i32 to vector<64x384xi32>
      %shift_left3A_73 = arith.shli %and3A_71, %shift_left3A_72 : vector<64x384xi32>
      %and3A_74 = arith.constant 32767 : i32
      %and3A_75 = vector.broadcast %and3A_74 : i32 to vector<64x384xi32>
      %and3A_76 = arith.andi %and3A_68, %and3A_75 : vector<64x384xi32>
      %shift_left3A_77 = arith.constant 13 : i32
      %shift_left3A_78 = vector.broadcast %shift_left3A_77 : i32 to vector<64x384xi32>
      %shift_left3A_79 = arith.shli %and3A_76, %shift_left3A_78 : vector<64x384xi32>
      %add3A_80 = arith.constant 939524096 : i32
      %add3A_81 = vector.broadcast %add3A_80 : i32 to vector<64x384xi32>
      %add3A_82 = arith.addi %shift_left3A_79, %add3A_81 : vector<64x384xi32>
      %or3A = arith.ori %shift_left3A_73, %add3A_82 : vector<64x384xi32>
      %bitcast_convert_type3A = tpu.bitcast %or3A : vector<64x384xi32> -> vector<64x384xf32>
      %jit3A_83 = arith.constant 0.000000e+00 : f32
      %broadcast_in_dim3A = vector.shape_cast %and3A_65 : vector<64x1xi1> to vector<64x1xi1>
      %broadcast_in_dim3A_84 = vector.broadcast %broadcast_in_dim3A : vector<64x1xi1> to vector<64x384xi1>
      %broadcast_in_dim3A_85 = vector.broadcast %jit3A_83 : f32 to vector<64x384xf32>
      %select_n3A_86 = arith.select %broadcast_in_dim3A_84, %bitcast_convert_type3A, %broadcast_in_dim3A_85 : vector<64x384xi1>, vector<64x384xf32>
      %convert_element_type3A_87 = arith.truncf %select_n3A_86 : vector<64x384xf32> to vector<64x384xbf16>
      %shift_right_arithmetic3A = arith.constant 16 : i32
      %shift_right_arithmetic3A_88 = vector.broadcast %shift_right_arithmetic3A : i32 to vector<64x384xi32>
      %shift_right_arithmetic3A_89 = arith.shrsi %get3A_59, %shift_right_arithmetic3A_88 : vector<64x384xi32>
      %and3A_90 = arith.constant 65535 : i32
      %and3A_91 = vector.broadcast %and3A_90 : i32 to vector<64x384xi32>
      %and3A_92 = arith.andi %shift_right_arithmetic3A_89, %and3A_91 : vector<64x384xi32>
      %and3A_93 = arith.constant 32768 : i32
      %and3A_94 = vector.broadcast %and3A_93 : i32 to vector<64x384xi32>
      %and3A_95 = arith.andi %and3A_92, %and3A_94 : vector<64x384xi32>
      %shift_left3A_96 = arith.constant 16 : i32
      %shift_left3A_97 = vector.broadcast %shift_left3A_96 : i32 to vector<64x384xi32>
      %shift_left3A_98 = arith.shli %and3A_95, %shift_left3A_97 : vector<64x384xi32>
      %and3A_99 = arith.constant 32767 : i32
      %and3A_100 = vector.broadcast %and3A_99 : i32 to vector<64x384xi32>
      %and3A_101 = arith.andi %and3A_92, %and3A_100 : vector<64x384xi32>
      %shift_left3A_102 = arith.constant 13 : i32
      %shift_left3A_103 = vector.broadcast %shift_left3A_102 : i32 to vector<64x384xi32>
      %shift_left3A_104 = arith.shli %and3A_101, %shift_left3A_103 : vector<64x384xi32>
      %add3A_105 = arith.constant 939524096 : i32
      %add3A_106 = vector.broadcast %add3A_105 : i32 to vector<64x384xi32>
      %add3A_107 = arith.addi %shift_left3A_104, %add3A_106 : vector<64x384xi32>
      %or3A_108 = arith.ori %shift_left3A_98, %add3A_107 : vector<64x384xi32>
      %bitcast_convert_type3A_109 = tpu.bitcast %or3A_108 : vector<64x384xi32> -> vector<64x384xf32>
      %jit3A_110 = arith.constant 0.000000e+00 : f32
      %broadcast_in_dim3A_111 = vector.shape_cast %and3A_65 : vector<64x1xi1> to vector<64x1xi1>
      %broadcast_in_dim3A_112 = vector.broadcast %broadcast_in_dim3A_111 : vector<64x1xi1> to vector<64x384xi1>
      %broadcast_in_dim3A_113 = vector.broadcast %jit3A_110 : f32 to vector<64x384xf32>
      %select_n3A_114 = arith.select %broadcast_in_dim3A_112, %bitcast_convert_type3A_109, %broadcast_in_dim3A_113 : vector<64x384xi1>, vector<64x384xf32>
      %convert_element_type3A_115 = arith.truncf %select_n3A_114 : vector<64x384xf32> to vector<64x384xbf16>
      %get3A_116 = arith.index_cast %add3A_54 : i32 to index
      %get3A_117 = arith.constant 0 : index
      %get3A_118 = arith.constant 0 : index
      %get3A_119 = vector.load %arg5[%get3A_116, %get3A_117, %get3A_118] : memref<32x64x768xf32, #tpu.memory_space<vmem>>, vector<1x64x768xf32>
      %get3A_120 = vector.shape_cast %get3A_119 : vector<1x64x768xf32> to vector<64x768xf32>
      %dot_general3A = arith.constant dense<0.000000e+00> : vector<64x768xf32>
      %dot_general3A_121 = tpu.matmul %convert_element_type3A_87, %get3A_32, %dot_general3A {dimension_numbers = #tpu.dot_dimension_numbers<[1], [0], [0], [1], [0, 0, 1, 1], [], []>, transpose_lhs_hint = false} : vector<64x384xbf16>, vector<384x768xbf16>, vector<64x768xf32> -> vector<64x768xf32>
      %add3A_122 = arith.addf %get3A_120, %dot_general3A_121 : vector<64x768xf32>
      %dot_general3A_123 = arith.constant dense<0.000000e+00> : vector<64x768xf32>
      %dot_general3A_124 = tpu.matmul %convert_element_type3A_115, %get3A_37, %dot_general3A_123 {dimension_numbers = #tpu.dot_dimension_numbers<[1], [0], [0], [1], [0, 0, 1, 1], [], []>, transpose_lhs_hint = false} : vector<64x384xbf16>, vector<384x768xbf16>, vector<64x768xf32> -> vector<64x768xf32>
      %add3A_125 = arith.addf %add3A_122, %dot_general3A_124 : vector<64x768xf32>
      %swap3A = arith.index_cast %add3A_54 : i32 to index
      %swap3A_126 = arith.constant 0 : index
      %swap3A_127 = arith.constant 0 : index
      %swap3A_128 = vector.load %arg5[%swap3A, %swap3A_126, %swap3A_127] : memref<32x64x768xf32, #tpu.memory_space<vmem>>, vector<1x64x768xf32>
      %swap3A_129 = vector.shape_cast %swap3A_128 : vector<1x64x768xf32> to vector<64x768xf32>
      %swap3A_130 = vector.shape_cast %add3A_125 : vector<64x768xf32> to vector<1x64x768xf32>
      tpu.vector_store %arg5[%swap3A, %swap3A_126, %swap3A_127], %swap3A_130 {strides = array<i32>} : memref<32x64x768xf32, #tpu.memory_space<vmem>>, vector<1x64x768xf32>,
    }
    %eq3A_48 = arith.constant 63 : i32
    %eq3A_49 = arith.cmpi eq, %arg0, %eq3A_48 : i32
    %convert_element_type3A_50 = arith.extui %eq3A_49 : i1 to i32
    %cond3A_51 = arith.constant 0 : i32
    %cond3A_52 = arith.cmpi ne, %convert_element_type3A_50, %cond3A_51 : i32
    scf.if %cond3A_52 {
      %get3A_53 = arith.constant 0 : index
      %get3A_54 = arith.constant 0 : index
      %get3A_55 = arith.constant 0 : index
      %get3A_56 = vector.load %arg5[%get3A_53, %get3A_54, %get3A_55] : memref<32x64x768xf32, #tpu.memory_space<vmem>>, vector<32x64x768xf32>
      %bitcast_convert_type3A = tpu.bitcast %get3A_56 : vector<32x64x768xf32> -> vector<32x64x768xi32>
      %shift_right_arithmetic3A = arith.constant 16 : i32
      %shift_right_arithmetic3A_57 = vector.broadcast %shift_right_arithmetic3A : i32 to vector<32x64x768xi32>
      %shift_right_arithmetic3A_58 = arith.shrsi %bitcast_convert_type3A, %shift_right_arithmetic3A_57 : vector<32x64x768xi32>
      %and3A_59 = arith.constant 32768 : i32
      %and3A_60 = vector.broadcast %and3A_59 : i32 to vector<32x64x768xi32>
      %and3A_61 = arith.andi %shift_right_arithmetic3A_58, %and3A_60 : vector<32x64x768xi32>
      %and3A_62 = arith.constant 2147483647 : i32
      %and3A_63 = vector.broadcast %and3A_62 : i32 to vector<32x64x768xi32>
      %and3A_64 = arith.andi %bitcast_convert_type3A, %and3A_63 : vector<32x64x768xi32>
      %add3A_65 = arith.constant 4096 : i32
      %add3A_66 = vector.broadcast %add3A_65 : i32 to vector<32x64x768xi32>
      %add3A_67 = arith.addi %and3A_64, %add3A_66 : vector<32x64x768xi32>
      %shift_right_arithmetic3A_68 = arith.constant 13 : i32
      %shift_right_arithmetic3A_69 = vector.broadcast %shift_right_arithmetic3A_68 : i32 to vector<32x64x768xi32>
      %shift_right_arithmetic3A_70 = arith.shrsi %add3A_67, %shift_right_arithmetic3A_69 : vector<32x64x768xi32>
      %lt3A = arith.constant 114688 : i32
      %lt3A_71 = vector.broadcast %lt3A : i32 to vector<32x64x768xi32>
      %lt3A_72 = arith.cmpi slt, %shift_right_arithmetic3A_70, %lt3A_71 : vector<32x64x768xi32>
      %sub3A_73 = arith.constant 114688 : i32
      %sub3A_74 = vector.broadcast %sub3A_73 : i32 to vector<32x64x768xi32>
      %sub3A_75 = arith.subi %shift_right_arithmetic3A_70, %sub3A_74 : vector<32x64x768xi32>
      %jit3A_76 = arith.constant 0 : i32
      %broadcast_in_dim3A = vector.broadcast %jit3A_76 : i32 to vector<32x64x768xi32>
      %select_n3A_77 = arith.select %lt3A_72, %broadcast_in_dim3A, %sub3A_75 : vector<32x64x768xi1>, vector<32x64x768xi32>
      %or3A = arith.ori %and3A_61, %select_n3A_77 : vector<32x64x768xi32>
      %convert_element_type3A_78 = arith.trunci %or3A : vector<32x64x768xi32> to vector<32x64x768xi16>
      %swap3A = tpu.memref_bitcast %arg4 : memref<32x64x768xf16, #tpu.memory_space<vmem>> -> memref<32x64x768xi16, #tpu.memory_space<vmem>>
      %swap3A_79 = arith.constant 0 : index
      %swap3A_80 = arith.constant 0 : index
      %swap3A_81 = arith.constant 0 : index
      %swap3A_82 = vector.load %swap3A[%swap3A_79, %swap3A_80, %swap3A_81] : memref<32x64x768xi16, #tpu.memory_space<vmem>>, vector<32x64x768xi16>
      tpu.vector_store %swap3A[%swap3A_79, %swap3A_80, %swap3A_81], %convert_element_type3A_78 {strides = array<i32>} : memref<32x64x768xi16, #tpu.memory_space<vmem>>, vector<32x64x768xi16>,
    } else {
    }
    return
  }
  func.func @transform_0(%arg0: i32, %arg1: memref<80xi32, #tpu.memory_space<smem>>) -> (i32, i32, i32) {
    %c0_i32 = arith.constant 0 : i32
    %c0_i32_0 = arith.constant 0 : i32
    %c0_i32_1 = arith.constant 0 : i32
    %c0_i32_2 = arith.constant 0 : i32
    return %c0_i32, %c0_i32_0, %c0_i32_1 : i32, i32, i32
  }
  func.func @transform_1(%arg0: i32, %arg1: memref<80xi32, #tpu.memory_space<smem>>) -> (i32, i32, i32) {
    %c0_i32 = arith.constant 0 : i32
    %c0_i32_0 = arith.constant 0 : i32
    %c0_i32_1 = arith.constant 0 : i32
    return %arg0, %c0_i32, %c0_i32_0 : i32, i32, i32
  }
  func.func @transform_2(%arg0: i32, %arg1: memref<80xi32, #tpu.memory_space<smem>>) -> (i32, i32, i32) {
    %c0_i32 = arith.constant 0 : i32
    %c0_i32_0 = arith.constant 0 : i32
    %c0_i32_1 = arith.constant 0 : i32
    %c0_i32_2 = arith.constant 0 : i32
    return %c0_i32, %c0_i32_0, %c0_i32_1 : i32, i32, i32
  }
}

</mosaic_0001>

<sc_bundles>
// kernel: kernel.4.cloned.1.call-start
scs
__scs_entry_jumppad:
0x0: {  	(pc) =	sbr.rel $0x88, $3  }
0x1: {  	(tag) =	ssettag $0x0;
	lr =	simm.s32 $0x1  }
0x2: {  	[smem:$0x3F9E] =	sst lr;
	_ =	strace $0xD0000000  }
0x3: {  	_ = 	snop  }
0x4: {  	_ = 	snop  }
0x5: {  	_ = 	snop  }
0x6: {  	_ = 	snop  }
0x7: {  	_ = 	snop  }
__scs_overlays_trampoline_lowered:
0x8: {  	[smem:$0x3FAD] =	sst s0  }
0x9: {  	[smem:$0x3FAE] =	sst s1  }
0xa: {  	[smem:$0x3FAF] =	sst s2  }
0xb: {  	[smem:$0x3FB0] =	sst s3  }
0xc: {  	[smem:$0x3FB1] =	sst s4  }
0xd: {  	[smem:$0x3FB2] =	sst s5  }
0xe: {  	[smem:$0x3FB3] =	sst s6  }
0xf: {  	[smem:$0x3FB4] =	sst s7  }
0x10: {  	[smem:$0x3FB5] =	sst s8  }
0x11: {  	[smem:$0x3FB6] =	sst s9;
	s0 =	simm.s32 @!p0 $0x0  }
0x12: {  	s1 =	sld [smem:$0x3F9C];
	s0 =	simm.s32 @p0 $0x1  }
0x13: {  	[smem:$0x3FB7] =	sst s0;
	s0 =	simm.s32 @!p1 $0x0  }
0x14: {  	s2 =	sld [smem:$0x3F9B];
	s0 =	simm.s32 @p1 $0x1  }
0x15: {  	[smem:$0x3FB8] =	sst s0;
	s0 =	simm.s32 @!p2 $0x0  }
0x16: {  	s3 =	sld [smem:$0x3FDB];
	s0 =	simm.s32 @p2 $0x1  }
0x17: {  	s4 =	simm.s32 $0x1BF5;
	[smem:$0x3FBA] =	sst s0  }
0x18: {  	s0 =	sld [smem:$0x3F9D];
	_ =	swait.ge [sflag:s4], $0x0  }
0x19: {  	s7 =	sld [smem:$0x3F9E]  }
0x1a: {  	s8 =	sadd.s32 $0xFFFFE003, lr  }
0x1b: {  	s9 =	sadd.s32 $0xFFFFFEF7, lr;
	s5 =	simm.s32 $0xFFFFFFFF;
	p2 =	slt.u32 s8, $0xFFFFF086  }
0x1c: {  	p1 =	slt.u32 s9, $0xF7A;
	s5 =	simm.s32 @!p2 $0x0  }
0x1d: {  	s5 =	simm.s32 @p1 $0x1;
	p0 =	seq.s32 s7, s2  }
0x1e: {  	s7 =	smul.u32 @!p0 $0xF7A, s2;
	p2 =	seq.s32 @!p0 s5, $0x0  }
0x1f: {  	s9 =	smul.u32 $0xF7A, s1;
	s8 =	simm.s32 @!p0 $0x1BF5;
	p2 =	por !p2, p0  }
0x20: {  	[sflag:s8] =	ssyncset.s32 @!p0 $0xFFFFF086;
	s6 =	sadd.s32 @!p0 s3, s7;
	s7 =	simm.s32 @!p0 $0x108  }
0x21: {  	s3 =	sadd.s32 s3, s9;
	s6 =	sadd.s32 @!p0 $0x88, s6;
	s7 =	simm.s32 @p2 $0x1082  }
0x22: {  	[simem:s7], [sflag:s8] =	dma.local @!p0 [hbm:s6], $0xF7A  }
0x23: {  	s9 =	sor.u32 $0xD0000000, s2;
	s6 =	simm.s32 $0x108;
	_ =	swait.ge @!p0 [sflag:s8], $0x0  }
0x24: {  	s3 =	sadd.s32 $0x88, s3;
	s6 =	simm.s32 @!p1 $0x1082;
	[sflag:s4] =	ssyncset.s32 $0xFFFFF086  }
0x25: {  	[simem:s6], [sflag:s4] =	dma.local [hbm:s3], $0xF7A  }
0x26: {  	[smem:$0x3F9E] =	sst s1;
	(tag) =	ssettag s2;
	_ =	strace s9  }
0x27: {  	s1 =	sld [smem:$0x3FAE]  }
0x28: {  	s2 =	sld [smem:$0x3FAF]  }
0x29: {  	s4 =	sld [smem:$0x3FB1]  }
0x2a: {  	p0 =	seq.s32 s5, $0x0;
	s5 =	sld [smem:$0x3FB2]  }
0x2b: {  	s6 =	sld [smem:$0x3FB3]  }
0x2c: {  	s7 =	sld [smem:$0x3FB4]  }
0x2d: {  	s3 =	simm.s32 $0x108;
	s8 =	sld [smem:$0x3FB5]  }
0x2e: {  	s3 =	simm.s32 @!p0 $0x1082;
	s9 =	sld [smem:$0x3FB6]  }
0x2f: {  	lr =	sadd.s32 s0, s3;
	s0 =	sld [smem:$0x3FAD]  }
0x30: {  	s3 =	sld [smem:$0x3FB0]  }
0x31: {  	[smem:$0x3FB9] =	sst s10  }
0x32: {  	s10 =	sld [smem:$0x3FB7];
	_ =	sdelay $0x3  }
0x33: {  	p0 =	seq.s32 s10, $0x1;
	s10 =	sld [smem:$0x3FB9];
	_ =	sdelay $0x3  }
0x34: {  	[smem:$0x3FB9] =	sst s10  }
0x35: {  	s10 =	sld [smem:$0x3FB8];
	_ =	sdelay $0x3  }
0x36: {  	p1 =	seq.s32 s10, $0x1;
	s10 =	sld [smem:$0x3FB9];
	_ =	sdelay $0x3  }
0x37: {  	[smem:$0x3FB9] =	sst s10  }
0x38: {  	s10 =	sld [smem:$0x3FBA]  }
0x39: {  	_ = 	snop;
	(pc) =	sbr.ind lr, $3  }
0x3a: {  	_ = 	snop  }
0x3b: {  	_ = 	snop  }
0x3c: {  	p2 =	seq.s32 s10, $0x1;
	s10 =	sld [smem:$0x3FB9]  }
0x3d: {  	_ =	shalt  }
0x3e: {  	_ =	shalt  }
0x3f: {  	_ =	shalt  }
0x40: {  	_ =	shalt  }
0x41: {  	_ =	shalt  }
0x42: {  	_ =	shalt  }
0x43: {  	_ =	shalt  }
0x44: {  	_ =	shalt  }
0x45: {  	_ =	shalt  }
0x46: {  	_ =	shalt  }
0x47: {  	_ =	shalt  }
0x48: {  	_ =	shalt  }
0x49: {  	_ =	shalt  }
0x4a: {  	_ =	shalt  }
0x4b: {  	_ =	shalt  }
0x4c: {  	_ =	shalt  }
0x4d: {  	_ =	shalt  }
0x4e: {  	_ =	shalt  }
0x4f: {  	_ =	shalt  }
0x50: {  	_ =	shalt  }
0x51: {  	_ =	shalt  }
0x52: {  	_ =	shalt  }
0x53: {  	_ =	shalt  }
0x54: {  	_ =	shalt  }
0x55: {  	_ =	shalt  }
0x56: {  	_ =	shalt  }
0x57: {  	_ =	shalt  }
0x58: {  	_ =	shalt  }
0x59: {  	_ =	shalt  }
0x5a: {  	_ =	shalt  }
0x5b: {  	_ =	shalt  }
0x5c: {  	_ =	shalt  }
0x5d: {  	_ =	shalt  }
0x5e: {  	_ =	shalt  }
0x5f: {  	_ =	shalt  }
0x60: {  	_ =	shalt  }
0x61: {  	_ =	shalt  }
0x62: {  	_ =	shalt  }
0x63: {  	_ =	shalt  }
0x64: {  	_ =	shalt  }
0x65: {  	_ =	shalt  }
0x66: {  	_ =	shalt  }
0x67: {  	_ =	shalt  }
0x68: {  	_ =	shalt  }
0x69: {  	_ =	shalt  }
0x6a: {  	_ =	shalt  }
0x6b: {  	_ =	shalt  }
0x6c: {  	_ =	shalt  }
0x6d: {  	_ =	shalt  }
0x6e: {  	_ =	shalt  }
0x6f: {  	_ =	shalt  }
0x70: {  	_ =	shalt  }
0x71: {  	_ =	shalt  }
0x72: {  	_ =	shalt  }
0x73: {  	_ =	shalt  }
0x74: {  	_ =	shalt  }
0x75: {  	_ =	shalt  }
0x76: {  	_ =	shalt  }
0x77: {  	_ =	shalt  }
0x78: {  	_ =	shalt  }
0x79: {  	_ =	shalt  }
0x7a: {  	_ =	shalt  }
0x7b: {  	_ =	shalt  }
0x7c: {  	_ =	shalt  }
0x7d: {  	_ =	shalt  }
0x7e: {  	_ =	shalt  }
0x7f: {  	_ =	shalt  }
0x80: {  	_ =	shalt  }
0x81: {  	_ =	shalt  }
0x82: {  	_ =	shalt  }
0x83: {  	_ =	shalt  }
0x84: {  	_ =	shalt  }
0x85: {  	_ =	shalt  }
0x86: {  	_ =	shalt  }
0x87: {  	_ =	shalt  }
.Lfunc_end0:
.L_simem_size_0:
called_computation_lowered:
.L_overlay_start_0:
0x88: {  	s0 =	sld [smem:$0x3FD9]  }
0x89: {  	s1 =	sld [smem:$0x3FFE];
	_ =	sdelay $0x3  }
0x8a: {  	s0 =	sadd.s32 s1, s0  }
0x8b: {  	[smem:$0x3FC5] =	sst s0  }
0x8c: {  	_ = 	snop  }
0x8d: {  	s0 =	sld [smem:$0x3FC8]  }
0x8e: {  	s16 =	sld [smem:$0x3FD0];
	(tm) =	ssettm $0x1  }
0x8f: {  	s2 =	sld [smem:$0x3FFB];
	_ =	sdelay $0x3  }
0x90: {  	_ =	strace s2  }
0x91: {  	s2 =	sld [smem:$0x3FFC];
	_ =	sdelay $0x3  }
0x92: {  	_ =	strace s2  }
0x93: {  	s2 =	sld [smem:$0x3FFD];
	_ =	sdelay $0x3  }
0x94: {  	_ =	strace s2  }
0x95: {  	_ =	strace $0x8FFFFFFF  }
0x96: {  	s17 =	sld [smem:$0x3FDB];
	_ =	sdelay $0x1  }
0x97: {  	s3 =	simm.s32 $_scs_section_size  }
0x98: {  	s4 =	simm.s32 $_size__tile_overlayer_lowered;
	s5 =	simm.s32 $_tile_overlayer_lowered  }
0x99: {  	s20 =	simm.s32 $0x1BFF;
	s19 =	sshll.u32 s5, $0x1;
	s2 =	sadd.s32 s3, s17  }
0x9a: {  	s6 =	simm.s32 $0x0;
	s18 =	sshll.u32 s4, $0x1;
	s4 =	sadd.s32 s19, s2  }
0x9b: {  	[timem:s6], [sflag:s20] =	dma.local [hbm:s4], s18  }
0x9c: {  	_ =	swait.ge [sflag:s20], s18  }
0x9d: {  	s3 =	ssub.s32 $0x0, s18;
	[sflag:s20] =	ssyncset.done $0x0  }
0x9e: {  	[sflag:s20] =	ssyncadd.s32 s3;
	_ =	sdelay $0x1  }
0x9f: {  	s21 =	simm.s32 $0x1B8B  }
0xa0: {  	_ =	swait.ge [sflag:s21], $0x1  }
0xa1: {  	[sflag:s21] =	ssyncset.done $0x0  }
0xa2: {  	s23 =	simm.s32 $0x1B8E;
	s22 =	sld [smem:$0x3FFE];
	[sflag:s21] =	ssyncadd.s32 $0xFFFFFFFF  }
0xa3: {  	s24 =	simm.s32 $execute0_lowered;
	[smem:$0x3FD2] =	sst s23  }
0xa4: {  	s4 =	sshll.u32 s24, $0x1;
	_ =	strace $0x80000046;
	[dreg:$0x1] =	wrdreg $0xFFFFFFFF  }
0xa5: {  	s25 =	simm.s32 $_size_execute0_lowered;
	s2 =	sadd.s32 s2, s4;
	[dreg:$0x0] =	wrdreg $0x0  }
0xa6: {  	s4 =	sshll.u32 s25, $0x1;
	[dreg:$0x2] =	wrdreg s2  }
0xa7: {  	[dreg:$0x3] =	wrdreg s4  }
0xa8: {  	[dreg:$0x4] =	wrdreg $0xC0  }
0xa9: {  	_ =	task [dreg:s6], $0x5FFFF  }
0xaa: {  	[dreg:$0x1] =	wrdreg $0xFFFFFFFF  }
0xab: {  	[dreg:$0x0] =	wrdreg $0x60  }
0xac: {  	[dreg:$0x2] =	wrdreg s0  }
0xad: {  	[dreg:$0x3] =	wrdreg s16  }
0xae: {  	[dreg:$0x4] =	wrdreg s22  }
0xaf: {  	[dreg:$0x5] =	wrdreg $0x0  }
0xb0: {  	[dreg:$0x6] =	wrdreg $0x400  }
0xb1: {  	[dreg:$0x7] =	wrdreg $0x9  }
0xb2: {  	_ =	task.clear_ibuf [dreg:s6], $0x8FFFF;
	_ =	strace $0x90000046  }
0xb3: {  	s26 =	simm.s32 $0x9;
	_ =	strace $0x80000048  }
0xb4: {  	_ =	swait.ge [sflag:s26], $0x1  }
0xb5: {  	[sflag:s26] =	ssyncadd.s32 $0xFFFFFFFF  }
0xb6: {  	_ =	strace $0x90000048  }
0xb7: {  	_ =	sfence  }
0xb8: {  	s28 =	sld [smem:$0x0];
	_ =	sdelay $0x1  }
0xb9: {  	s29 =	srdreg.scid  }
0xba: {  	s30 =	sshll.u32 s29, $0xD;
	s31 =	sshrl.u32 s29, $0x2  }
0xbb: {  	s1 =	sand.u32 $0x1, s29;
	s2 =	sand.u32 $0x4000, s30;
	s0 =	sadd.s32 s31, s28  }
0xbc: {  	s1 =	sor.u32 s2, s1;
	s0 =	sshll.u32 s0, $0x11  }
0xbd: {  	s0 =	sor.u32 s0, s1  }
0xbe: {  	s0 =	sadd.s32 $0x8F2B, s0  }
0xbf: {  	[sflag:s0] =	ssyncadd.remote.s32 $0x1  }
0xc0: {  	_ =	sfence.sel $0xFFFF  }
0xc1: {  	[dreg:$0x0] =	wrdreg $0xFFFFFFFF;
	(pc) =	sbr.abs _section_cstart, $3  }
0xc2: {  	[dreg:$0x1] =	wrdreg $0xFFFFFFFF  }
0xc3: {  	_ =	task.clear_ibuf [dreg:s6], $0x2FFFF;
	_ =	strace $0x9FFFFFFF  }
0xc4: {  	(tm) =	ssettm $0x7FFFFFFF  }
0xc5: {  	_ =	shalt  }
tec
execute0_lowered:
.L_overlay_start_1:
0x0: {  	(tag) =	ssettag $0x1  }
0x1: {  	s4 =	rddreg [dreg:$0x0]  }
0x2: {  	s5 =	rddreg [dreg:$0x1]  }
0x3: {  	s1 =	rddreg [dreg:$0x2]  }
0x4: {  	s9 =	rddreg [dreg:$0x3]  }
0x5: {  	s6 =	rddreg [dreg:$0x4]  }
0x6: {  	s0 =	rddreg [dreg:$0x5];
	s3 =	simm.s32 $0x0;
	s2 =	stileid.u32  }
0x7: {  	[smem:$0x7FF] =	sst s3;
	s7 =	sshll.u32 s2, $0x4  }
0x8: {  	s22 =	simm.s32 $0xC0;
	_ =	strace $0x80000047;
	s4 =	sadd.s32 s4, s7  }
0x9: {  	[tilespmem:s22], [sflag:$0x2] =	stream.linear.gather [hbm4b:s4+s3], $0x80, $0x38;
	[tilespmem:$0xCC40] =	vst v63  }
0xa: {  	s4 =	simm.s32 $0x2  }
0xb: {  	_ =	swait.ge [sflag:s4], $0x80  }
0xc: {  	[sflag:s4] =	ssyncset.done $0x0  }
0xd: {  	[sflag:s4] =	ssyncadd.s32 $0xFFFFFF80  }
0xe: {  	v1 =	vld [tilespmem:$0xC0];
	_ =	sdelay $0x4  }
0xf: {  	(xrf1) =	vunique.msk.u32 $0xffff, v1;
	_ =	sdelay $0x8  }
0x10: {  	v0 =	vimm.s32 $0x0  }
0x11: {  	[tilespmem:$0x140] =	vst v0  }
0x12: {  	[tilespmem:$0x150] =	vst v0  }
0x13: {  	[tilespmem:$0x160] =	vst v0  }
0x14: {  	s23 =	simm.s32 $0x140;
	[tilespmem:$0x170] =	vst v0  }
0x15: {  	v3 =	vld.idx.msk [tilespmem:v1+s23+$0x0], $0xffff;
	_, v2, vm0 =	vpop (xrf1);
	_ =	sdelay $0x4  }
0x16: {  	v2 =	vadd.s32 v3, v2  }
0x17: {  	[tilespmem:v1+s23+$0x0] =	vst.idx.msk vm0, v2  }
0x18: {  	v1 =	vld [tilespmem:$0xD0];
	_ =	sdelay $0x4  }
0x19: {  	(xrf1) =	vunique.msk.u32 $0xffff, v1;
	_ =	sdelay $0xd  }
0x1a: {  	v46 =	vld.idx.msk [tilespmem:v1+s23+$0x0], $0xffff;
	_, v2, vm0 =	vpop (xrf1);
	_ =	sdelay $0x4  }
0x1b: {  	v2 =	vadd.s32 v46, v2  }
0x1c: {  	[tilespmem:v1+s23+$0x0] =	vst.idx.msk vm0, v2  }
0x1d: {  	v1 =	vld [tilespmem:$0xE0];
	_ =	sdelay $0x4  }
0x1e: {  	(xrf1) =	vunique.msk.u32 $0xffff, v1;
	_ =	sdelay $0xd  }
0x1f: {  	v47 =	vld.idx.msk [tilespmem:v1+s23+$0x0], $0xffff;
	_, v2, vm0 =	vpop (xrf1);
	_ =	sdelay $0x4  }
0x20: {  	v2 =	vadd.s32 v47, v2  }
0x21: {  	[tilespmem:v1+s23+$0x0] =	vst.idx.msk vm0, v2  }
0x22: {  	v1 =	vld [tilespmem:$0xF0];
	_ =	sdelay $0x4  }
0x23: {  	(xrf1) =	vunique.msk.u32 $0xffff, v1;
	_ =	sdelay $0xd  }
0x24: {  	v48 =	vld.idx.msk [tilespmem:v1+s23+$0x0], $0xffff;
	_, v2, vm0 =	vpop (xrf1);
	_ =	sdelay $0x4  }
0x25: {  	v2 =	vadd.s32 v48, v2  }
0x26: {  	[tilespmem:v1+s23+$0x0] =	vst.idx.msk vm0, v2  }
0x27: {  	v1 =	vld [tilespmem:$0x100];
	_ =	sdelay $0x4  }
0x28: {  	(xrf1) =	vunique.msk.u32 $0xffff, v1;
	_ =	sdelay $0xd  }
0x29: {  	v49 =	vld.idx.msk [tilespmem:v1+s23+$0x0], $0xffff;
	_, v2, vm0 =	vpop (xrf1);
	_ =	sdelay $0x4  }
0x2a: {  	v2 =	vadd.s32 v49, v2  }
0x2b: {  	[tilespmem:v1+s23+$0x0] =	vst.idx.msk vm0, v2  }
0x2c: {  	v1 =	vld [tilespmem:$0x110];
	_ =	sdelay $0x4  }
0x2d: {  	(xrf1) =	vunique.msk.u32 $0xffff, v1;
	_ =	sdelay $0xd  }
0x2e: {  	v50 =	vld.idx.msk [tilespmem:v1+s23+$0x0], $0xffff;
	_, v2, vm0 =	vpop (xrf1);
	_ =	sdelay $0x4  }
0x2f: {  	v2 =	vadd.s32 v50, v2  }
0x30: {  	[tilespmem:v1+s23+$0x0] =	vst.idx.msk vm0, v2  }
0x31: {  	v1 =	vld [tilespmem:$0x120];
	_ =	sdelay $0x4  }
0x32: {  	(xrf1) =	vunique.msk.u32 $0xffff, v1;
	_ =	sdelay $0xd  }
0x33: {  	v51 =	vld.idx.msk [tilespmem:v1+s23+$0x0], $0xffff;
	_, v2, vm0 =	vpop (xrf1);
	_ =	sdelay $0x4  }
0x34: {  	v2 =	vadd.s32 v51, v2  }
0x35: {  	[tilespmem:v1+s23+$0x0] =	vst.idx.msk vm0, v2  }
0x36: {  	v1 =	vld [tilespmem:$0x130];
	_ =	sdelay $0x4  }
0x37: {  	(xrf1) =	vunique.msk.u32 $0xffff, v1;
	_ =	sdelay $0xd  }
0x38: {  	v52 =	vld.idx.msk [tilespmem:v1+s23+$0x0], $0xffff;
	_, v2, vm0 =	vpop (xrf1);
	_ =	sdelay $0x4  }
0x39: {  	s8 =	sshll.u32 s2, $0x7;
	v2 =	vadd.s32 v52, v2  }
0x3a: {  	s10 =	sadd.s32 s8, s9;
	[tilespmem:v1+s23+$0x0] =	vst.idx.msk vm0, v2  }
0x3b: {  	[spmem:s10] =	stream.linear.scatter [tilespmem:s23], [sflag:$0x2], $0x80, $0x38;
	[tilespmem:$0xCC40] =	vst v63  }
0x3c: {  	_ =	swait.ge [sflag:s4], $0x80  }
0x3d: {  	[sflag:s4] =	ssyncset.done $0x0  }
0x3e: {  	[sflag:s4] =	ssyncadd.s32 $0xFFFFFF80  }
0x3f: {  	s24 =	simm.s32 $0x1C0;
	[bflag:$0x0] =	sbarrier.arrive $0xFFFF  }
0x40: {  	[tilespmem:s24], [sflag:$0x2] =	stream.linear.gather [spmem:s9], $0x800, $0x38;
	[tilespmem:$0xCC40] =	vst v63  }
0x41: {  	_ =	swait.ge [sflag:s4], $0x800  }
0x42: {  	[sflag:s4] =	ssyncset.done $0x0  }
0x43: {  	[sflag:s4] =	ssyncadd.s32 $0xFFFFF800  }
0x44: {  	v53 =	vld [tilespmem:$0x1C0]  }
0x45: {  	v54 =	vld [tilespmem:$0x240]  }
0x46: {  	v6 =	vld [tilespmem:$0x2C0]  }
0x47: {  	v8 =	vld [tilespmem:$0x340]  }
0x48: {  	v13 =	vld [tilespmem:$0x3C0]  }
0x49: {  	v14 =	vld [tilespmem:$0x440]  }
0x4a: {  	v19 =	vld [tilespmem:$0x4C0]  }
0x4b: {  	v20 =	vld [tilespmem:$0x540]  }
0x4c: {  	v23 =	vld [tilespmem:$0x5C0]  }
0x4d: {  	v26 =	vld [tilespmem:$0x640]  }
0x4e: {  	v27 =	vld [tilespmem:$0x6C0]  }
0x4f: {  	v28 =	vld [tilespmem:$0x740]  }
0x50: {  	v29 =	vld [tilespmem:$0x7C0]  }
0x51: {  	v5 =	vld [tilespmem:$0x840]  }
0x52: {  	v30 =	vld [tilespmem:$0x1D0]  }
0x53: {  	v31 =	vld [tilespmem:$0x250]  }
0x54: {  	v32 =	vld [tilespmem:$0x2D0]  }
0x55: {  	v33 =	vld [tilespmem:$0x350]  }
0x56: {  	v34 =	vld [tilespmem:$0x3D0]  }
0x57: {  	v7 =	vld [tilespmem:$0x270]  }
0x58: {  	v35 =	vld [tilespmem:$0x450]  }
0x59: {  	vm6 =	vcmask $0x300;
	p2 =	seq.s32 s2, $0x0;
	p3 =	sgt.u32 s2, $0x1;
	v37 =	vld [tilespmem:$0x1E0]  }
0x5a: {  	p0 =	sgt.u32 s2, $0x2;
	p1 =	sgt.u32 s2, $0x3;
	v38 =	vld [tilespmem:$0x260];
	v9 =	vpsel p2, $0x0, v53;
	v10 =	vpsel !p3, $0x0, v54;
	v1 =	vadd.s32 v53, v54  }
0x5b: {  	p4 =	sgt.u32 s2, $0x4;
	v4 =	vld [tilespmem:$0x1F0];
	v56 =	vpsel !p0, $0x0, v6;
	v16 =	vpsel !p1, $0x0, v8;
	v41 =	vpsel p2, $0x0, v30  }
0x5c: {  	p6 =	sgt.u32 s2, $0x5;
	v2 =	vld [tilespmem:$0x8C0];
	v42 =	vpsel !p3, $0x0, v31;
	v3 =	vpsel !p3, $0x0, v7;
	v58 =	vpsel !p4, $0x0, v13  }
0x5d: {  	p5 =	sgt.u32 s2, $0x7;
	v39 =	vld [tilespmem:$0x2E0];
	v22 =	vpsel !p6, $0x0, v14;
	v45 =	vpsel !p0, $0x0, v32;
	v46 =	vpsel !p1, $0x0, v33  }
0x5e: {  	v12 =	vld [tilespmem:$0x370];
	v50 =	vpsel !p5, $0x0, v20;
	v52 =	vpsel !p4, $0x0, v34;
	v53 =	vpsel !p6, $0x0, v35  }
0x5f: {  	v11 =	vld [tilespmem:$0x2F0];
	v30 =	vadd.s32 v30, v31;
	v55 =	vadd.s32 v9, v10;
	v6 =	vadd.s32 v6, v1  }
0x60: {  	v36 =	vld [tilespmem:$0x4D0];
	v9 =	vpsel p2, $0x0, v37;
	v1 =	vpsel p2, $0x0, v4;
	v10 =	vpsel !p3, $0x0, v38  }
0x61: {  	v40 =	vld [tilespmem:$0x360];
	v30 =	vadd.s32 v32, v30;
	v37 =	vadd.s32 v37, v38;
	v41 =	vadd.s32 v41, v42  }
0x62: {  	v43 =	vld [tilespmem:$0x3E0];
	v4 =	vadd.s32 v4, v7;
	v15 =	vadd.s32 v56, v55;
	v6 =	vadd.s32 v8, v6  }
0x63: {  	v44 =	vld [tilespmem:$0x460];
	v8 =	vpsel !p1, $0x0, v12;
	v30 =	vadd.s32 v33, v30;
	v37 =	vadd.s32 v39, v37  }
0x64: {  	v18 =	vld [tilespmem:$0x470];
	v41 =	vadd.s32 v45, v41;
	v4 =	vadd.s32 v11, v4;
	v9 =	vadd.s32 v9, v10  }
0x65: {  	v47 =	vld [tilespmem:$0x550];
	v1 =	vadd.s32 v1, v3;
	v57 =	vadd.s32 v16, v15;
	v13 =	vadd.s32 v13, v6  }
0x66: {  	v17 =	vld [tilespmem:$0x3F0];
	v15 =	vpsel !p0, $0x0, v39;
	v6 =	vpsel !p0, $0x0, v11;
	v16 =	vpsel !p1, $0x0, v40  }
0x67: {  	v48 =	vld [tilespmem:$0x4E0];
	v30 =	vadd.s32 v34, v30;
	v37 =	vadd.s32 v40, v37;
	v41 =	vadd.s32 v46, v41  }
0x68: {  	v51 =	vld [tilespmem:$0x560];
	p0 =	sgt.u32 s2, $0x6;
	v4 =	vadd.s32 v12, v4;
	v21 =	vadd.s32 v58, v57;
	v13 =	vadd.s32 v14, v13  }
0x69: {  	v24 =	vld [tilespmem:$0x4F0];
	v60 =	vpsel !p0, $0x0, v19;
	v14 =	vpsel !p6, $0x0, v18;
	v56 =	vpsel !p0, $0x0, v36  }
0x6a: {  	v31 =	vld [tilespmem:$0x5F0];
	v57 =	vpsel !p5, $0x0, v47;
	v30 =	vadd.s32 v35, v30;
	v37 =	vadd.s32 v43, v37  }
0x6b: {  	v32 =	vld [tilespmem:$0x6D0];
	v41 =	vadd.s32 v52, v41;
	v4 =	vadd.s32 v17, v4;
	v59 =	vadd.s32 v22, v21  }
0x6c: {  	v42 =	vld [tilespmem:$0x7E0];
	v9 =	vadd.s32 v15, v9;
	v19 =	vadd.s32 v19, v13;
	v49 =	vadd.s32 v60, v59  }
0x6d: {  	v21 =	vpsel !p4, $0x0, v43;
	v13 =	vpsel !p4, $0x0, v17;
	p4 =	sgt.u32 s2, $0x8;
	v61 =	vadd.s32 v50, v49;
	v50 =	vld [tilespmem:$0x5D0]  }
0x6e: {  	v22 =	vpsel !p6, $0x0, v44;
	p6 =	sgt.u32 s2, $0x9;
	v19 =	vadd.s32 v20, v19;
	v62 =	vpsel !p4, $0x0, v23;
	v49 =	vld [tilespmem:$0x5E0]  }
0x6f: {  	v55 =	vld [tilespmem:$0x940];
	v63 =	vpsel !p6, $0x0, v26;
	v19 =	vadd.s32 v23, v19;
	v20 =	vadd.s32 v62, v61  }
0x70: {  	v33 =	vld [tilespmem:$0x660];
	v54 =	vadd.s32 v26, v19;
	v26 =	vpsel !p0, $0x0, v48;
	v19 =	vpsel !p0, $0x0, v24;
	p0 =	sgt.u32 s2, $0xA  }
0x71: {  	p1 =	sgt.u32 s2, $0xB;
	v34 =	vld [tilespmem:$0x750];
	v23 =	vadd.s32 v63, v20;
	v54 =	vadd.s32 v27, v54;
	v27 =	vpsel !p0, $0x0, v27  }
0x72: {  	v39 =	vld [tilespmem:$0x850];
	v60 =	vpsel !p1, $0x0, v28;
	v27 =	vadd.s32 v27, v23;
	v23 =	vpsel !p4, $0x0, v31  }
0x73: {  	v58 =	vld [tilespmem:$0x650];
	v28 =	vadd.s32 v28, v54;
	v61 =	vpsel !p4, $0x0, v50;
	v62 =	vpsel !p4, $0x0, v49;
	p4 =	sgt.u32 s2, $0xC  }
0x74: {  	v35 =	vld [tilespmem:$0x6E0];
	v27 =	vadd.s32 v60, v27;
	v28 =	vadd.s32 v29, v28;
	v29 =	vpsel !p4, $0x0, v29  }
0x75: {  	v37 =	vadd.s32 v44, v37;
	v44 =	vld [tilespmem:$0x760];
	v27 =	vadd.s32 v29, v27;
	v29 =	vadd.s32 v36, v30  }
0x76: {  	v1 =	vadd.s32 v6, v1;
	v37 =	vadd.s32 v48, v37;
	v54 =	vld [tilespmem:$0x7D0];
	v29 =	vadd.s32 v47, v29  }
0x77: {  	v59 =	vpsel !p5, $0x0, v51;
	v51 =	vadd.s32 v51, v37;
	v37 =	vld [tilespmem:$0x860];
	v29 =	vadd.s32 v50, v29  }
0x78: {  	v41 =	vadd.s32 v53, v41;
	v4 =	vadd.s32 v18, v4;
	v47 =	vld [tilespmem:$0x8D0];
	v29 =	vadd.s32 v58, v29  }
0x79: {  	v40 =	vpsel !p0, $0x0, v32;
	v50 =	vld [tilespmem:$0x950];
	v29 =	vadd.s32 v32, v29;
	v32 =	vadd.s32 v49, v51  }
0x7a: {  	v38 =	vpsel !p6, $0x0, v33;
	v29 =	vadd.s32 v34, v29;
	v32 =	vadd.s32 v33, v32;
	v33 =	vld [tilespmem:$0x8E0]  }
0x7b: {  	v53 =	vld [tilespmem:$0x960];
	v28 =	vadd.s32 v5, v28;
	v29 =	vadd.s32 v54, v29;
	v32 =	vadd.s32 v35, v32  }
0x7c: {  	v25 =	vld [tilespmem:$0x570];
	v28 =	vadd.s32 v2, v28;
	v29 =	vadd.s32 v39, v29;
	v32 =	vadd.s32 v44, v32  }
0x7d: {  	v45 =	vld [tilespmem:$0x770];
	v28 =	vadd.s32 v55, v28;
	v29 =	vadd.s32 v47, v29;
	v32 =	vadd.s32 v42, v32  }
0x7e: {  	v9 =	vadd.s32 v16, v9;
	(xrf0) =	vadd.scan.msk.s32 $0xffff, v28;
	v29 =	vadd.s32 v50, v29;
	v32 =	vadd.s32 v37, v32  }
0x7f: {  	v1 =	vadd.s32 v8, v1;
	v41 =	vadd.s32 v56, v41;
	(xrf0) =	vadd.scan.msk.s32 $0xffff, v29;
	v32 =	vadd.s32 v33, v32  }
0x80: {  	v4 =	vadd.s32 v24, v4;
	v9 =	vadd.s32 v21, v9;
	v32 =	vadd.s32 v53, v32  }
0x81: {  	v1 =	vadd.s32 v13, v1;
	v41 =	vadd.s32 v57, v41;
	v4 =	vadd.s32 v25, v4;
	v63 =	vld [tilespmem:$0x670];
	(xrf0) =	vadd.scan.msk.s32 $0xffff, v32  }
0x82: {  	v9 =	vadd.s32 v22, v9;
	v1 =	vadd.s32 v14, v1;
	v48 =	vpsel !p1, $0x0, v45  }
0x83: {  	v4 =	vadd.s32 v31, v4;
	v20 =	vpsel !p5, $0x0, v25;
	v9 =	vadd.s32 v26, v9  }
0x84: {  	v43 =	vpsel !p0, $0x0, v35;
	p5 =	sgt.u32 s2, $0xD;
	v1 =	vadd.s32 v19, v1;
	v9 =	vadd.s32 v59, v9;
	v51, _, _ =	vpop (xrf0)  }
0x85: {  	v5 =	vpsel !p5, $0x0, v5;
	v36 =	vpsel !p6, $0x0, v58;
	(v2sf) =	vpush v51, $0xF;
	v53, _, _ =	vpop (xrf0)  }
0x86: {  	v30 =	vld [tilespmem:$0x6F0];
	v60 =	vpsel !p6, $0x0, v63;
	p6 =	seq.s32 s2, $0xF;
	v58 =	vadd.s32 v61, v41;
	(v2sf) =	vpush v53, $0xF  }
0x87: {  	v46 =	vld [tilespmem:$0x7F0];
	v5 =	vadd.s32 v5, v27;
	v2 =	vpsel !p6, $0x0, v2;
	v27 =	vadd.s32 v36, v58;
	v56, _, _ =	vpop (xrf0)  }
0x88: {  	v16 =	vld [tilespmem:$0x970];
	v34 =	vpsel !p1, $0x0, v34;
	v52 =	vadd.s32 v40, v27;
	(v2sf) =	vpush v56, $0xF  }
0x89: {  	v2 =	vadd.s32 v2, v5;
	v61 =	vpsel !p4, $0x0, v54;
	v58 =	vld [tilespmem:$0x870];
	v5 =	vadd.s32 v34, v52  }
0x8a: {  	v1 =	vadd.s32 v20, v1;
	v4 =	vadd.s32 v63, v4;
	v5 =	vadd.s32 v61, v5;
	v61 =	vld [tilespmem:$0x8F0]  }
0x8b: {  	v24 =	vld [tilespmem:$0xC0];
	v1 =	vadd.s32 v23, v1;
	v17 =	vadd.s32 v62, v9;
	v63 =	vadd.s32 v30, v4  }
0x8c: {  	v22 =	vpsel !p5, $0x0, v37;
	v6 =	vadd.s32 v38, v17;
	v3 =	vadd.s32 v45, v63  }
0x8d: {  	[tilespmem:$0x140] =	vst v0;
	v6 =	vadd.s32 v43, v6;
	v1 =	vadd.s32 v60, v1;
	v3 =	vadd.s32 v46, v3  }
0x8e: {  	[tilespmem:$0x150] =	vst v0;
	v49 =	vpsel !p4, $0x0, v42;
	v55 =	vpsel !p0, $0x0, v30;
	v3 =	vadd.s32 v58, v3  }
0x8f: {  	[tilespmem:$0x160] =	vst v0;
	v54 =	vpsel !p5, $0x0, v39;
	v57 =	vpsel !p6, $0x0, v47;
	v3 =	vadd.s32 v61, v3  }
0x90: {  	(xrf1) =	vunique.msk.u32 $0xffff, v24;
	v1 =	vadd.s32 v55, v1;
	v34 =	vsel vm6, $0x800, v0;
	v3 =	vadd.s32 v16, v3  }
0x91: {  	v44 =	vpsel !p1, $0x0, v44;
	v1 =	vadd.s32 v48, v1;
	v5 =	vadd.s32 v54, v5;
	(xrf0) =	vadd.scan.msk.s32 $0xffff, v3  }
0x92: {  	[tilespmem:$0x170] =	vst v0;
	v18 =	vsub.s32 v51, v28;
	v7 =	vbroadcast v51, $0xF;
	v6 =	vadd.s32 v44, v6  }
0x93: {  	[tilespmem:$0xA80] =	vst v34;
	v50 =	vpsel !p4, $0x0, v46;
	v5 =	vadd.s32 v57, v5;
	v6 =	vadd.s32 v49, v6  }
0x94: {  	v2 =	vadd.s32 v18, v2;
	[tilespmem:$0xA40] =	vst v18;
	v30 =	vpsel !p5, $0x0, v58;
	v21 =	vsub.s32 v53, v29;
	s25 =	spop (v2sf)  }
0x95: {  	[tilespmem:$0x9C0] =	vst v2;
	v25 =	vadd.s32 v22, v6;
	v28 =	vpsel !p6, $0x0, v33;
	v7 =	vadd.s32 v7, v21;
	s26 =	spop (v2sf)  }
0x96: {  	v1 =	vadd.s32 v50, v1;
	v26 =	vsub.s32 v56, v32;
	v27 =	vadd.s32 v7, v5;
	[tilespmem:$0xA50] =	vst v7;
	s9 =	sadd.s32 s25, s26  }
0x97: {  	v2 =	vadd.s32 v28, v25;
	v1 =	vadd.s32 v30, v1;
	[tilespmem:$0x9D0] =	vst v27;
	v31, _, _ =	vpop (xrf0);
	v29 =	vadd.s32 s9, v26;
	s28 =	spop (v2sf)  }
0x98: {  	v32 =	vpsel !p6, $0x0, v61;
	v3 =	vsub.s32 v31, v3;
	v2 =	vadd.s32 v29, v2;
	s9 =	sadd.s32 s9, s28;
	[tilespmem:$0xA60] =	vst v29  }
0x99: {  	v1 =	vadd.s32 v32, v1;
	[tilespmem:$0x9E0] =	vst v2;
	v33 =	vadd.s32 s9, v3  }
0x9a: {  	v1 =	vadd.s32 v33, v1;
	[tilespmem:$0xA70] =	vst v33  }
0x9b: {  	[tilespmem:$0x9F0] =	vst v1  }
0x9c: {  	s29 =	simm.s32 $0x9C0;
	v0 =	vld.idx.msk [tilespmem:v24+s23+$0x0], $0xffff  }
0x9d: {  	v1 =	vld.idx.msk [tilespmem:v24+s29+$0x0], $0xffff;
	_ =	sdelay $0x1  }
0x9e: {  	_, v35, vm7 =	vpop (xrf1);
	_ =	sdelay $0x1  }
0x9f: {  	v36 =	vlaneseq.u32;
	v0 =	vadd.s32 v0, v35  }
0xa0: {  	v37 =	vor.u32 s8, v36;
	v1 =	vadd.s32 v1, v0  }
0xa1: {  	[tilespmem:$0xB40] =	vst v37;
	v1 =	vadd.s32 $0xFFFFFFFF, v1  }
0xa2: {  	[tilespmem:$0xAC0] =	vst v1  }
0xa3: {  	[tilespmem:v24+s23+$0x0] =	vst.idx.msk vm7, v0  }
0xa4: {  	v0 =	vld [tilespmem:$0xD0];
	_ =	sdelay $0x4  }
0xa5: {  	(xrf1) =	vunique.msk.u32 $0xffff, v0;
	_ =	sdelay $0xa  }
0xa6: {  	v1 =	vld.idx.msk [tilespmem:v0+s23+$0x0], $0xffff  }
0xa7: {  	v3 =	vld.idx.msk [tilespmem:v0+s29+$0x0], $0xffff;
	_ =	sdelay $0x1  }
0xa8: {  	_, v38, vm8 =	vpop (xrf1);
	_ =	sdelay $0x1  }
0xa9: {  	s30 =	sor.u32 $0x10, s8;
	v1 =	vadd.s32 v1, v38  }
0xaa: {  	v39 =	vor.u32 s30, v36;
	v3 =	vadd.s32 v3, v1  }
0xab: {  	[tilespmem:$0xB50] =	vst v39;
	v3 =	vadd.s32 $0xFFFFFFFF, v3  }
0xac: {  	[tilespmem:$0xAD0] =	vst v3  }
0xad: {  	[tilespmem:v0+s23+$0x0] =	vst.idx.msk vm8, v1  }
0xae: {  	v0 =	vld [tilespmem:$0xE0];
	_ =	sdelay $0x4  }
0xaf: {  	(xrf1) =	vunique.msk.u32 $0xffff, v0;
	_ =	sdelay $0xa  }
0xb0: {  	v1 =	vld.idx.msk [tilespmem:v0+s23+$0x0], $0xffff  }
0xb1: {  	v3 =	vld.idx.msk [tilespmem:v0+s29+$0x0], $0xffff;
	_ =	sdelay $0x1  }
0xb2: {  	_, v40, vm9 =	vpop (xrf1);
	_ =	sdelay $0x1  }
0xb3: {  	s31 =	sor.u32 $0x20, s8;
	v1 =	vadd.s32 v1, v40  }
0xb4: {  	v41 =	vor.u32 s31, v36;
	v3 =	vadd.s32 v3, v1  }
0xb5: {  	[tilespmem:$0xB60] =	vst v41;
	v3 =	vadd.s32 $0xFFFFFFFF, v3  }
0xb6: {  	[tilespmem:$0xAE0] =	vst v3  }
0xb7: {  	[tilespmem:v0+s23+$0x0] =	vst.idx.msk vm9, v1  }
0xb8: {  	v0 =	vld [tilespmem:$0xF0];
	_ =	sdelay $0x4  }
0xb9: {  	(xrf1) =	vunique.msk.u32 $0xffff, v0;
	_ =	sdelay $0xa  }
0xba: {  	v1 =	vld.idx.msk [tilespmem:v0+s23+$0x0], $0xffff  }
0xbb: {  	v3 =	vld.idx.msk [tilespmem:v0+s29+$0x0], $0xffff;
	_ =	sdelay $0x1  }
0xbc: {  	_, v42, vm10 =	vpop (xrf1);
	_ =	sdelay $0x1  }
0xbd: {  	s11 =	sor.u32 $0x30, s8;
	v1 =	vadd.s32 v1, v42  }
0xbe: {  	v43 =	vor.u32 s11, v36;
	v3 =	vadd.s32 v3, v1  }
0xbf: {  	[tilespmem:$0xB70] =	vst v43;
	v3 =	vadd.s32 $0xFFFFFFFF, v3  }
0xc0: {  	[tilespmem:$0xAF0] =	vst v3  }
0xc1: {  	[tilespmem:v0+s23+$0x0] =	vst.idx.msk vm10, v1  }
0xc2: {  	v0 =	vld [tilespmem:$0x100];
	_ =	sdelay $0x4  }
0xc3: {  	(xrf1) =	vunique.msk.u32 $0xffff, v0;
	_ =	sdelay $0xa  }
0xc4: {  	v1 =	vld.idx.msk [tilespmem:v0+s23+$0x0], $0xffff  }
0xc5: {  	v3 =	vld.idx.msk [tilespmem:v0+s29+$0x0], $0xffff;
	_ =	sdelay $0x1  }
0xc6: {  	_, v44, vm11 =	vpop (xrf1);
	_ =	sdelay $0x1  }
0xc7: {  	s12 =	sor.u32 $0x40, s8;
	v1 =	vadd.s32 v1, v44  }
0xc8: {  	v45 =	vor.u32 s12, v36;
	v3 =	vadd.s32 v3, v1  }
0xc9: {  	[tilespmem:$0xB80] =	vst v45;
	v3 =	vadd.s32 $0xFFFFFFFF, v3  }
0xca: {  	[tilespmem:$0xB00] =	vst v3  }
0xcb: {  	[tilespmem:v0+s23+$0x0] =	vst.idx.msk vm11, v1  }
0xcc: {  	v0 =	vld [tilespmem:$0x110];
	_ =	sdelay $0x4  }
0xcd: {  	(xrf1) =	vunique.msk.u32 $0xffff, v0;
	_ =	sdelay $0xa  }
0xce: {  	v1 =	vld.idx.msk [tilespmem:v0+s23+$0x0], $0xffff  }
0xcf: {  	v3 =	vld.idx.msk [tilespmem:v0+s29+$0x0], $0xffff;
	_ =	sdelay $0x1  }
0xd0: {  	_, v46, vm12 =	vpop (xrf1);
	_ =	sdelay $0x1  }
0xd1: {  	s13 =	sor.u32 $0x50, s8;
	v1 =	vadd.s32 v1, v46  }
0xd2: {  	v47 =	vor.u32 s13, v36;
	v3 =	vadd.s32 v3, v1  }
0xd3: {  	[tilespmem:$0xB90] =	vst v47;
	v3 =	vadd.s32 $0xFFFFFFFF, v3  }
0xd4: {  	[tilespmem:$0xB10] =	vst v3  }
0xd5: {  	[tilespmem:v0+s23+$0x0] =	vst.idx.msk vm12, v1  }
0xd6: {  	v0 =	vld [tilespmem:$0x120];
	_ =	sdelay $0x4  }
0xd7: {  	(xrf1) =	vunique.msk.u32 $0xffff, v0;
	_ =	sdelay $0xa  }
0xd8: {  	v1 =	vld.idx.msk [tilespmem:v0+s23+$0x0], $0xffff  }
0xd9: {  	v3 =	vld.idx.msk [tilespmem:v0+s29+$0x0], $0xffff;
	_ =	sdelay $0x1  }
0xda: {  	_, v48, vm13 =	vpop (xrf1);
	_ =	sdelay $0x1  }
0xdb: {  	s14 =	sor.u32 $0x60, s8;
	v1 =	vadd.s32 v1, v48  }
0xdc: {  	v49 =	vor.u32 s14, v36;
	v3 =	vadd.s32 v3, v1  }
0xdd: {  	[tilespmem:$0xBA0] =	vst v49;
	v3 =	vadd.s32 $0xFFFFFFFF, v3  }
0xde: {  	[tilespmem:$0xB20] =	vst v3  }
0xdf: {  	[tilespmem:v0+s23+$0x0] =	vst.idx.msk vm13, v1  }
0xe0: {  	v0 =	vld [tilespmem:$0x130];
	_ =	sdelay $0x4  }
0xe1: {  	(xrf1) =	vunique.msk.u32 $0xffff, v0;
	_ =	sdelay $0xa  }
0xe2: {  	v1 =	vld.idx.msk [tilespmem:v0+s23+$0x0], $0xffff  }
0xe3: {  	v3 =	vld.idx.msk [tilespmem:v0+s29+$0x0], $0xffff;
	_ =	sdelay $0x1  }
0xe4: {  	_, v50, vm14 =	vpop (xrf1);
	_ =	sdelay $0x1  }
0xe5: {  	s15 =	sor.u32 $0x70, s8;
	v1 =	vadd.s32 v1, v50  }
0xe6: {  	v51 =	vor.u32 s15, v36;
	v3 =	vadd.s32 v3, v1  }
0xe7: {  	[tilespmem:$0xBB0] =	vst v51;
	v3 =	vadd.s32 $0xFFFFFFFF, v3  }
0xe8: {  	[tilespmem:$0xB30] =	vst v3  }
0xe9: {  	s16 =	simm.s32 $0x80;
	s17 =	simm.s32 $0xAC0;
	s18 =	simm.s32 $0xB40;
	[tilespmem:v0+s23+$0x0] =	vst.idx.msk vm14, v1  }
0xea: {  	[spmem:s6] =	stream.indirect.scatter [tilespmem:s18], [sflag:$0x2], $0x1, s17, s16, $0xb8;
	[tilespmem:$0xCC40] =	vst v63  }
0xeb: {  	_ =	swait.ge [sflag:s4], $0x80  }
0xec: {  	[sflag:s4] =	ssyncset.done $0x0  }
0xed: {  	[sflag:s4] =	ssyncadd.s32 $0xFFFFFF80  }
0xee: {  	s19 =	simm.s32 $0xBC0;
	s6 =	sadd.s32 s8, s6;
	[bflag:$0x0] =	sbarrier.arrive $0xFFFF  }
0xef: {  	[tilespmem:s19], [sflag:$0x2] =	stream.linear.gather [spmem:s6], $0x80, $0x38;
	[tilespmem:$0xCC40] =	vst v63  }
0xf0: {  	_ =	swait.ge [sflag:s4], $0x80  }
0xf1: {  	[sflag:s4] =	ssyncset.done $0x0  }
0xf2: {  	[sflag:s4] =	ssyncadd.s32 $0xFFFFFF80  }
0xf3: {  	v52 =	vld [tilespmem:$0xBC0];
	_ =	sdelay $0x4  }
0xf4: {  	v53 =	vshrl.u32 v52, $0x3  }
0xf5: {  	v1 =	vmul.u32 $0x18, v53  }
0xf6: {  	v0 =	vand.u32 $0x7, v52  }
0xf7: {  	v55 =	vshrl.u32 v36, $0x3;
	v54 =	vand.u32 $0x7, v36;
	v0 =	vor.u32 v0, v1  }
0xf8: {  	v3 =	vmul.u32 $0x8, v55;
	v56 =	vperm.xlane v0, v54;
	_ =	sdelay $0x1  }
0xf9: {  	v4 =	vadd.s32 v3, v56  }
0xfa: {  	v2 =	vor.u32 $0x8, v36  }
0xfb: {  	v0 =	vperm.xlane v0, v2;
	_ =	sdelay $0x1  }
0xfc: {  	vm15 =	vmmov $0xffff;
	s6 =	simm.s32 $0xC40;
	v0 =	vadd.s32 v3, v0  }
0xfd: {  	[tilespmem:s6], [sflag:$0x1] =	stream.indirect_vreg.gather [hbm4b:s5+s3], $0x80, v4, vm15, $0xb8;
	[tilespmem:$0xCC40] =	vst v63  }
0xfe: {  	vm1 =	vmmov $0xff;
	s20 =	simm.s32 $0x1440;
	s7 =	sadd.s32 $0x100, s5  }
0xff: {  	[tilespmem:s20], [sflag:$0x1] =	stream.indirect_vreg.gather [hbm4b:s7+s3], $0x80, v4, vm1, $0xb8;
	[tilespmem:$0xCC40] =	vst v63  }
0x100: {  	s21 =	simm.s32 $0x1840  }
0x101: {  	[tilespmem:s21], [sflag:$0x1] =	stream.indirect_vreg.gather [hbm4b:s5+s3], $0x80, v0, vm15, $0xb8;
	[tilespmem:$0xCC40] =	vst v63  }
0x102: {  	s22 =	simm.s32 $0x2040  }
0x103: {  	[tilespmem:s22], [sflag:$0x1] =	stream.indirect_vreg.gather [hbm4b:s7+s3], $0x80, v0, vm1, $0xb8;
	[tilespmem:$0xCC40] =	vst v63  }
0x104: {  	v0 =	vld [tilespmem:$0xBD0];
	_ =	sdelay $0x4  }
0x105: {  	v57 =	vshrl.u32 v0, $0x3  }
0x106: {  	v4 =	vmul.u32 $0x18, v57  }
0x107: {  	v0 =	vand.u32 $0x7, v0  }
0x108: {  	v0 =	vor.u32 v0, v4  }
0x109: {  	v4 =	vperm.xlane v0, v54;
	_ =	sdelay $0x1  }
0x10a: {  	v4 =	vadd.s32 v3, v4;
	_ =	sdelay $0x1  }
0x10b: {  	v0 =	vperm.xlane v0, v2;
	_ =	sdelay $0x1  }
0x10c: {  	s23 =	simm.s32 $0x2440;
	v0 =	vadd.s32 v3, v0  }
0x10d: {  	[tilespmem:s23], [sflag:$0x1] =	stream.indirect_vreg.gather [hbm4b:s5+s3], $0x80, v4, vm15, $0xb8;
	[tilespmem:$0xCC40] =	vst v63  }
0x10e: {  	s24 =	simm.s32 $0x2C40  }
0x10f: {  	[tilespmem:s24], [sflag:$0x1] =	stream.indirect_vreg.gather [hbm4b:s7+s3], $0x80, v4, vm1, $0xb8;
	[tilespmem:$0xCC40] =	vst v63  }
0x110: {  	s25 =	simm.s32 $0x3040  }
0x111: {  	[tilespmem:s25], [sflag:$0x1] =	stream.indirect_vreg.gather [hbm4b:s5+s3], $0x80, v0, vm15, $0xb8;
	[tilespmem:$0xCC40] =	vst v63  }
0x112: {  	s26 =	simm.s32 $0x3840  }
0x113: {  	[tilespmem:s26], [sflag:$0x1] =	stream.indirect_vreg.gather [hbm4b:s7+s3], $0x80, v0, vm1, $0xb8;
	[tilespmem:$0xCC40] =	vst v63  }
0x114: {  	v0 =	vld [tilespmem:$0xBE0];
	_ =	sdelay $0x4  }
0x115: {  	v58 =	vshrl.u32 v0, $0x3  }
0x116: {  	v4 =	vmul.u32 $0x18, v58  }
0x117: {  	v0 =	vand.u32 $0x7, v0  }
0x118: {  	v0 =	vor.u32 v0, v4  }
0x119: {  	v4 =	vperm.xlane v0, v54;
	_ =	sdelay $0x1  }
0x11a: {  	v4 =	vadd.s32 v3, v4;
	_ =	sdelay $0x1  }
0x11b: {  	v0 =	vperm.xlane v0, v2;
	_ =	sdelay $0x1  }
0x11c: {  	s28 =	simm.s32 $0x3C40;
	v0 =	vadd.s32 v3, v0  }
0x11d: {  	[tilespmem:s28], [sflag:$0x1] =	stream.indirect_vreg.gather [hbm4b:s5+s3], $0x80, v4, vm15, $0xb8;
	[tilespmem:$0xCC40] =	vst v63  }
0x11e: {  	s29 =	simm.s32 $0x4440  }
0x11f: {  	[tilespmem:s29], [sflag:$0x1] =	stream.indirect_vreg.gather [hbm4b:s7+s3], $0x80, v4, vm1, $0xb8;
	[tilespmem:$0xCC40] =	vst v63  }
0x120: {  	s30 =	simm.s32 $0x4840  }
0x121: {  	[tilespmem:s30], [sflag:$0x1] =	stream.indirect_vreg.gather [hbm4b:s5+s3], $0x80, v0, vm15, $0xb8;
	[tilespmem:$0xCC40] =	vst v63  }
0x122: {  	s31 =	simm.s32 $0x5040  }
0x123: {  	[tilespmem:s31], [sflag:$0x1] =	stream.indirect_vreg.gather [hbm4b:s7+s3], $0x80, v0, vm1, $0xb8;
	[tilespmem:$0xCC40] =	vst v63  }
0x124: {  	v0 =	vld [tilespmem:$0xBF0];
	_ =	sdelay $0x4  }
0x125: {  	v59 =	vshrl.u32 v0, $0x3  }
0x126: {  	v4 =	vmul.u32 $0x18, v59  }
0x127: {  	v0 =	vand.u32 $0x7, v0  }
0x128: {  	v0 =	vor.u32 v0, v4  }
0x129: {  	v4 =	vperm.xlane v0, v54;
	_ =	sdelay $0x1  }
0x12a: {  	v4 =	vadd.s32 v3, v4;
	_ =	sdelay $0x1  }
0x12b: {  	v0 =	vperm.xlane v0, v2;
	_ =	sdelay $0x1  }
0x12c: {  	s9 =	simm.s32 $0x5440;
	v0 =	vadd.s32 v3, v0  }
0x12d: {  	[tilespmem:s9], [sflag:$0x1] =	stream.indirect_vreg.gather [hbm4b:s5+s3], $0x80, v4, vm15, $0xb8;
	[tilespmem:$0xCC40] =	vst v63  }
0x12e: {  	s10 =	simm.s32 $0x5C40  }
0x12f: {  	[tilespmem:s10], [sflag:$0x1] =	stream.indirect_vreg.gather [hbm4b:s7+s3], $0x80, v4, vm1, $0xb8;
	[tilespmem:$0xCC40] =	vst v63  }
0x130: {  	s11 =	simm.s32 $0x6040  }
0x131: {  	[tilespmem:s11], [sflag:$0x1] =	stream.indirect_vreg.gather [hbm4b:s5+s3], $0x80, v0, vm15, $0xb8;
	[tilespmem:$0xCC40] =	vst v63  }
0x132: {  	s12 =	simm.s32 $0x6840  }
0x133: {  	[tilespmem:s12], [sflag:$0x1] =	stream.indirect_vreg.gather [hbm4b:s7+s3], $0x80, v0, vm1, $0xb8;
	[tilespmem:$0xCC40] =	vst v63  }
0x134: {  	v0 =	vld [tilespmem:$0xC00];
	_ =	sdelay $0x4  }
0x135: {  	v60 =	vshrl.u32 v0, $0x3  }
0x136: {  	v4 =	vmul.u32 $0x18, v60  }
0x137: {  	v0 =	vand.u32 $0x7, v0  }
0x138: {  	v0 =	vor.u32 v0, v4  }
0x139: {  	v4 =	vperm.xlane v0, v54;
	_ =	sdelay $0x1  }
0x13a: {  	v4 =	vadd.s32 v3, v4;
	_ =	sdelay $0x1  }
0x13b: {  	v0 =	vperm.xlane v0, v2;
	_ =	sdelay $0x1  }
0x13c: {  	s13 =	simm.s32 $0x6C40;
	v0 =	vadd.s32 v3, v0  }
0x13d: {  	[tilespmem:s13], [sflag:$0x1] =	stream.indirect_vreg.gather [hbm4b:s5+s3], $0x80, v4, vm15, $0xb8;
	[tilespmem:$0xCC40] =	vst v63  }
0x13e: {  	s14 =	simm.s32 $0x7440  }
0x13f: {  	[tilespmem:s14], [sflag:$0x1] =	stream.indirect_vreg.gather [hbm4b:s7+s3], $0x80, v4, vm1, $0xb8;
	[tilespmem:$0xCC40] =	vst v63  }
0x140: {  	s15 =	simm.s32 $0x7840  }
0x141: {  	[tilespmem:s15], [sflag:$0x1] =	stream.indirect_vreg.gather [hbm4b:s5+s3], $0x80, v0, vm15, $0xb8;
	[tilespmem:$0xCC40] =	vst v63  }
0x142: {  	s16 =	simm.s32 $0x8040  }
0x143: {  	[tilespmem:s16], [sflag:$0x1] =	stream.indirect_vreg.gather [hbm4b:s7+s3], $0x80, v0, vm1, $0xb8;
	[tilespmem:$0xCC40] =	vst v63  }
0x144: {  	v0 =	vld [tilespmem:$0xC10];
	_ =	sdelay $0x4  }
0x145: {  	v61 =	vshrl.u32 v0, $0x3  }
0x146: {  	v4 =	vmul.u32 $0x18, v61  }
0x147: {  	v0 =	vand.u32 $0x7, v0  }
0x148: {  	v0 =	vor.u32 v0, v4  }
0x149: {  	v4 =	vperm.xlane v0, v54;
	_ =	sdelay $0x1  }
0x14a: {  	v4 =	vadd.s32 v3, v4;
	_ =	sdelay $0x1  }
0x14b: {  	v0 =	vperm.xlane v0, v2;
	_ =	sdelay $0x1  }
0x14c: {  	s17 =	simm.s32 $0x8440;
	v0 =	vadd.s32 v3, v0  }
0x14d: {  	[tilespmem:s17], [sflag:$0x1] =	stream.indirect_vreg.gather [hbm4b:s5+s3], $0x80, v4, vm15, $0xb8;
	[tilespmem:$0xCC40] =	vst v63  }
0x14e: {  	s18 =	simm.s32 $0x8C40  }
0x14f: {  	[tilespmem:s18], [sflag:$0x1] =	stream.indirect_vreg.gather [hbm4b:s7+s3], $0x80, v4, vm1, $0xb8;
	[tilespmem:$0xCC40] =	vst v63  }
0x150: {  	s19 =	simm.s32 $0x9040  }
0x151: {  	[tilespmem:s19], [sflag:$0x1] =	stream.indirect_vreg.gather [hbm4b:s5+s3], $0x80, v0, vm15, $0xb8;
	[tilespmem:$0xCC40] =	vst v63  }
0x152: {  	s20 =	simm.s32 $0x9840  }
0x153: {  	[tilespmem:s20], [sflag:$0x1] =	stream.indirect_vreg.gather [hbm4b:s7+s3], $0x80, v0, vm1, $0xb8;
	[tilespmem:$0xCC40] =	vst v63  }
0x154: {  	v0 =	vld [tilespmem:$0xC20];
	_ =	sdelay $0x4  }
0x155: {  	v62 =	vshrl.u32 v0, $0x3  }
0x156: {  	v4 =	vmul.u32 $0x18, v62  }
0x157: {  	v0 =	vand.u32 $0x7, v0  }
0x158: {  	v0 =	vor.u32 v0, v4  }
0x159: {  	v4 =	vperm.xlane v0, v54;
	_ =	sdelay $0x1  }
0x15a: {  	v4 =	vadd.s32 v3, v4;
	_ =	sdelay $0x1  }
0x15b: {  	v0 =	vperm.xlane v0, v2;
	_ =	sdelay $0x1  }
0x15c: {  	s21 =	simm.s32 $0x9C40;
	v0 =	vadd.s32 v3, v0  }
0x15d: {  	[tilespmem:s21], [sflag:$0x1] =	stream.indirect_vreg.gather [hbm4b:s5+s3], $0x80, v4, vm15, $0xb8;
	[tilespmem:$0xCC40] =	vst v63  }
0x15e: {  	s22 =	simm.s32 $0xA440  }
0x15f: {  	[tilespmem:s22], [sflag:$0x1] =	stream.indirect_vreg.gather [hbm4b:s7+s3], $0x80, v4, vm1, $0xb8;
	[tilespmem:$0xCC40] =	vst v63  }
0x160: {  	s23 =	simm.s32 $0xA840  }
0x161: {  	[tilespmem:s23], [sflag:$0x1] =	stream.indirect_vreg.gather [hbm4b:s5+s3], $0x80, v0, vm15, $0xb8;
	[tilespmem:$0xCC40] =	vst v63  }
0x162: {  	s24 =	simm.s32 $0xB040  }
0x163: {  	[tilespmem:s24], [sflag:$0x1] =	stream.indirect_vreg.gather [hbm4b:s7+s3], $0x80, v0, vm1, $0xb8;
	[tilespmem:$0xCC40] =	vst v63  }
0x164: {  	v0 =	vld [tilespmem:$0xC30];
	_ =	sdelay $0x4  }
0x165: {  	v63 =	vshrl.u32 v0, $0x3  }
0x166: {  	v4 =	vmul.u32 $0x18, v63  }
0x167: {  	v0 =	vand.u32 $0x7, v0  }
0x168: {  	v0 =	vor.u32 v0, v4  }
0x169: {  	v1 =	vperm.xlane v0, v54;
	_ =	sdelay $0x1  }
0x16a: {  	v1 =	vadd.s32 v3, v1;
	_ =	sdelay $0x1  }
0x16b: {  	v0 =	vperm.xlane v0, v2;
	_ =	sdelay $0x1  }
0x16c: {  	s25 =	simm.s32 $0xB440;
	v0 =	vadd.s32 v3, v0  }
0x16d: {  	[tilespmem:s25], [sflag:$0x1] =	stream.indirect_vreg.gather [hbm4b:s5+s3], $0x80, v1, vm15, $0xb8;
	[tilespmem:$0xCC40] =	vst v63  }
0x16e: {  	s26 =	simm.s32 $0xBC40  }
0x16f: {  	[tilespmem:s26], [sflag:$0x1] =	stream.indirect_vreg.gather [hbm4b:s7+s3], $0x80, v1, vm1, $0xb8;
	[tilespmem:$0xCC40] =	vst v63  }
0x170: {  	s28 =	simm.s32 $0xC040  }
0x171: {  	[tilespmem:s28], [sflag:$0x1] =	stream.indirect_vreg.gather [hbm4b:s5+s3], $0x80, v0, vm15, $0xb8;
	[tilespmem:$0xCC40] =	vst v63  }
0x172: {  	s29 =	simm.s32 $0xC840;
	s30 =	smul.u32 $0x1800, s2;
	s31 =	simm.s32 $0x1  }
0x173: {  	[tilespmem:s29], [sflag:$0x1] =	stream.indirect_vreg.gather [hbm4b:s7+s3], $0x80, v0, vm1, $0xb8;
	[tilespmem:$0xCC40] =	vst v63  }
0x174: {  	_ =	swait.ge [sflag:s31], $0xC000  }
0x175: {  	s5 =	sadd.s32 s30, s1;
	[sflag:s31] =	ssyncset.done $0x0  }
0x176: {  	s5 =	sadd.s32 $0xA00, s5;
	[sflag:s31] =	ssyncadd.s32 $0xFFFF4000  }
0x177: {  	[hbm4b:s5+s3] =	stream.linear.scatter [tilespmem:s6], [sflag:$0x2], $0xC000, $0x38;
	[tilespmem:$0xCC40] =	vst v63  }
0x178: {  	_ =	swait.ge [sflag:s4], $0xC000  }
0x179: {  	[sflag:s4] =	ssyncset.done $0x0  }
0x17a: {  	p0 =	sne.s32 s2, $0x0;
	[sflag:s4] =	ssyncadd.s32 $0xFFFF4000  }
0x17b: {  	_ =	sfence.sel @p0 $0x180000  }
0x17c: {  	[bflag:$0x0] =	sbarrier.arrive @p0 $0xFFFF  }
0x17d: {  	s2 =	simm.s32 @!p0 $0x0;
	_ =	strace @p0 $0x90000047  }
0x17e: {  	s1 =	sadd.s32 $0x18A00, s1;
	s3 =	simm.s32 @!p0 $0xA40;
	[bflag:$0x2] =	sbarrier.arrive @p0 $0xFFFF  }
0x17f: {  	[hbm4b:s1+s2] =	stream.linear.scatter @!p0 [tilespmem:s3], [sflag:$0x2], $0x80, $0x38;
	[tilespmem:$0xCC40] =	vst v63  }
0x180: {  	s1 =	simm.s32 @!p0 $0x2  }
0x181: {  	_ =	swait.ge @!p0 [sflag:s1], $0x80  }
0x182: {  	[sflag:s1] =	ssyncset.done @!p0 $0x0  }
0x183: {  	[sflag:s1] =	ssyncadd.s32 @!p0 $0xFFFFFF80  }
0x184: {  	_ =	sfence.sel @!p0 $0x180000  }
0x185: {  	[bflag:$0x0] =	sbarrier.arrive @!p0 $0xFFFF  }
0x186: {  	_ =	strace @!p0 $0x90000047  }
0x187: {  	s0 =	sadd.s32 @!p0 $0x100000, s0;
	[bflag:$0x2] =	sbarrier.arrive @!p0 $0xFFFF  }
0x188: {  	[sflag:s0] =	ssyncadd.tile.s32 @!p0 $0x1;
	_ =	shalt  }
.Lfunc_end2:
_tile_overlayer_lowered:
.L_overlay_start_2:
0x189: {  	(tag) =	ssettag $0x2  }
0x18a: {  	s0 =	rddreg [dreg:$0x0];
	s2 =	stileid.u32  }
0x18b: {  	s1 =	rddreg [dreg:$0x1];
	p0 =	sne.s32 s2, $0x0  }
0x18c: {  	s3 =	rddreg [dreg:$0x2];
	[bflag:$0x3] =	sbarrier.arrive $0xFFFF;
	s2 =	simm.s32 @!p0 $0x1C02  }
0x18d: {  	[timem:s3], [sflag:s2] =	dma.local @!p0 [hbm:s0], s1  }
0x18e: {  	s0 =	simm.s32 @!p0 $0x2  }
0x18f: {  	_ =	swait.ge @!p0 [sflag:s0], s1  }
0x190: {  	s1 =	ssub.s32 @!p0 $0x0, s1;
	[sflag:s0] =	ssyncset.done @!p0 $0x0  }
0x191: {  	[sflag:s0] =	ssyncadd.s32 @!p0 s1  }
0x192: {  	[bflag:$0x3] =	sbarrier.arrive $0xFFFF  }
0x193: {  	_ =	shalt  }

</sc_bundles>
